<compile_context>
chip_gen: v7x
topology: tpu7x:2x2x1
jax: 0.10.2.dev20260603
libtpu: 0.0.44.dev20260713+nightly
codegen_flags: <defaults>
</compile_context>

<pallas_src>
import functools

import jax
import jax.numpy as jnp
from jax import lax
from jax.experimental import pallas as pl
from jax.experimental.pallas import tpu as pltpu
from jax.experimental.pallas import tpu_sc as plsc

N_NODES = 10000
N_EDGES = 320000
FEAT = 128

NCORES = 2
NSUB = 16
NW = NCORES * NSUB
CHUNK = 128
CPT = 80
EPT = CPT * CHUNK
E_PAD = NW * EPT
N_PAD = 10112
ROWS_PT = N_PAD // NSUB

_MESH = plsc.VectorSubcoreMesh(core_axis_name="c", subcore_axis_name="s")


_FIRE = 8


def _deg_body(dst2d_hbm, zeros_hbm, ones_hbm, out_hbm, shared, ones_v, didx_v, sem):
    cid = lax.axis_index("c")
    sid = lax.axis_index("s")
    wid = cid * NSUB + sid
    r0 = sid * ROWS_PT
    pltpu.sync_copy(zeros_hbm.at[pl.ds(r0, ROWS_PT)], shared.at[pl.ds(r0, ROWS_PT)])
    pltpu.sync_copy(ones_hbm, ones_v)
    pltpu.sync_copy(dst2d_hbm.at[pl.ds(wid * CPT, CPT)], didx_v)
    plsc.subcore_barrier()

    def group(g, carry):
        c0 = g * _FIRE
        for k in range(_FIRE):
            pltpu.async_copy(ones_v, shared.at[didx_v.at[c0 + k]], sem, add=True)
        for _ in range(_FIRE):
            pltpu.make_async_copy(ones_v, shared.at[didx_v.at[c0]], sem).wait()
        return carry

    lax.fori_loop(0, CPT // _FIRE, group, 0)
    plsc.subcore_barrier()
    pltpu.sync_copy(shared.at[pl.ds(r0, ROWS_PT)],
                    out_hbm.at[cid, pl.ds(r0, ROWS_PT)])


_deg_call = pl.kernel(
    _deg_body,
    out_type=jax.ShapeDtypeStruct((NCORES, N_PAD, FEAT), jnp.float32),
    mesh=_MESH,
    scratch_types=[
        pltpu.VMEM_SHARED((N_PAD, FEAT), jnp.float32),
        pltpu.VMEM((CHUNK, FEAT), jnp.float32),
        pltpu.VMEM((CPT, CHUNK), jnp.int32),
        pltpu.SemaphoreType.DMA,
    ],
)


EPT_REAL = N_EDGES // NW
CPT_FULL = EPT_REAL // CHUNK
TAIL = EPT_REAL - CPT_FULL * CHUNK


def _pass_body(xs_hbm, src_hbm, dst_hbm, zeros_hbm, out_hbm,
               shared, sidx_v, didx_v, rows_v, sidx_t, didx_t, rows_t, sem):
    cid = lax.axis_index("c")
    sid = lax.axis_index("s")
    wid = cid * NSUB + sid
    r0 = sid * ROWS_PT
    base = wid * EPT_REAL
    pltpu.sync_copy(zeros_hbm.at[pl.ds(r0, ROWS_PT)], shared.at[pl.ds(r0, ROWS_PT)])
    plsc.subcore_barrier()

    def step(c, carry):
        off = base + c * CHUNK
        pltpu.sync_copy(src_hbm.at[pl.ds(off, CHUNK)], sidx_v)
        pltpu.sync_copy(dst_hbm.at[pl.ds(off, CHUNK)], didx_v)
        pltpu.async_copy(xs_hbm.at[sidx_v], rows_v, sem).wait()
        pltpu.sync_copy(rows_v, shared.at[didx_v], add=True)
        return carry

    lax.fori_loop(0, CPT_FULL, step, 0)

    off = base + CPT_FULL * CHUNK
    pltpu.sync_copy(src_hbm.at[pl.ds(off, TAIL)], sidx_t)
    pltpu.sync_copy(dst_hbm.at[pl.ds(off, TAIL)], didx_t)
    pltpu.async_copy(xs_hbm.at[sidx_t], rows_t, sem).wait()
    pltpu.sync_copy(rows_t, shared.at[didx_t], add=True)

    plsc.subcore_barrier()
    pltpu.sync_copy(shared.at[pl.ds(r0, ROWS_PT)],
                    out_hbm.at[cid, pl.ds(r0, ROWS_PT)])


_pass_call = pl.kernel(
    _pass_body,
    out_type=jax.ShapeDtypeStruct((NCORES, N_PAD, FEAT), jnp.float32),
    mesh=_MESH,
    scratch_types=[
        pltpu.VMEM_SHARED((N_PAD, FEAT), jnp.float32),
        pltpu.VMEM((CHUNK,), jnp.int32),
        pltpu.VMEM((CHUNK,), jnp.int32),
        pltpu.VMEM((CHUNK, FEAT), jnp.float32),
        pltpu.VMEM((TAIL,), jnp.int32),
        pltpu.VMEM((TAIL,), jnp.int32),
        pltpu.VMEM((TAIL, FEAT), jnp.float32),
        pltpu.SemaphoreType.DMA,
    ],
)

_BLK = 2000


def _dinv_of(degp_ref):
    deg = degp_ref[0, :, 0:1] + degp_ref[1, :, 0:1]
    return lax.rsqrt(deg + 1.0)


def _prep_body(degp_ref, x_ref, xs_ref):
    xs_ref[...] = x_ref[...] * _dinv_of(degp_ref)


def _mid_body(p_ref, xs_ref, degp_ref, w1_ref, b1_ref, w2_ref, ms_ref):
    dinv = _dinv_of(degp_ref)
    s = (p_ref[0] + p_ref[1] + xs_ref[...]) * dinv
    h = jnp.maximum(
        jnp.dot(s, w1_ref[...], preferred_element_type=jnp.float32) + b1_ref[...],
        0.0)
    ms_ref[...] = jnp.dot(h, w2_ref[...], preferred_element_type=jnp.float32) * dinv


def _out_body(q_ref, ms_ref, degp_ref, b2_ref, wc_ref, bc_ref, o_ref):
    dinv = _dinv_of(degp_ref)
    h2 = jnp.maximum(
        (q_ref[0] + q_ref[1] + ms_ref[...]) * dinv + b2_ref[...], 0.0)
    o_ref[...] = (
        jnp.dot(h2, wc_ref[...], preferred_element_type=jnp.float32) + bc_ref[...])


_degp_spec = pl.BlockSpec((NCORES, _BLK, FEAT), lambda i: (0, i, 0))
_part_spec = pl.BlockSpec((NCORES, _BLK, FEAT), lambda i: (0, i, 0))
_row_spec = pl.BlockSpec((_BLK, FEAT), lambda i: (i, 0))


def _full(shape):
    return pl.BlockSpec(shape, lambda i: (0,) * len(shape))


_prep_call = pl.pallas_call(
    _prep_body,
    grid=(N_NODES // _BLK,),
    in_specs=[_degp_spec, _row_spec],
    out_specs=_row_spec,
    out_shape=jax.ShapeDtypeStruct((N_NODES, FEAT), jnp.float32),
)

_mid_call = pl.pallas_call(
    _mid_body,
    grid=(N_NODES // _BLK,),
    in_specs=[_part_spec, _row_spec, _degp_spec,
              _full((FEAT, 256)), _full((1, 256)), _full((256, FEAT))],
    out_specs=_row_spec,
    out_shape=jax.ShapeDtypeStruct((N_NODES, FEAT), jnp.float32),
)

_out_call = pl.pallas_call(
    _out_body,
    grid=(N_NODES // _BLK,),
    in_specs=[_part_spec, _row_spec, _degp_spec,
              _full((1, FEAT)), _full((FEAT, FEAT)), _full((1, FEAT))],
    out_specs=_row_spec,
    out_shape=jax.ShapeDtypeStruct((N_NODES, FEAT), jnp.float32),
)


def kernel(X, edge_index, W1, b1, W2, b2, Wc, bc):
    pad = E_PAD - N_EDGES
    src_p = edge_index[0]
    dst_p = edge_index[1]
    dst_2d = jnp.concatenate(
        [dst_p, jnp.full((pad,), N_NODES, jnp.int32)]).reshape(NW * CPT, CHUNK)
    zeros128 = jnp.zeros((N_PAD, FEAT), jnp.float32)
    ones128 = jnp.ones((CHUNK, FEAT), jnp.float32)

    degp = _deg_call(dst_2d, zeros128, ones128)
    xs = _prep_call(degp, X)
    p = _pass_call(xs, src_p, dst_p, zeros128)
    ms = _mid_call(p, xs, degp, W1, b1.reshape(1, -1), W2)
    q = _pass_call(ms, src_p, dst_p, zeros128)

    n_classes = Wc.shape[1]
    wc_pad = jnp.zeros((FEAT, FEAT), jnp.float32).at[:, :n_classes].set(Wc)
    bc_pad = jnp.zeros((1, FEAT), jnp.float32).at[:, :n_classes].set(bc)
    o = _out_call(q, ms, degp, b2.reshape(1, -1), wc_pad, bc_pad)
    return o[:, :n_classes]

# --- scband reference (transcript-rebuilt; emitter-appended) ---
"""Pipeline reference for scband-gcn-59339268161753 (READ-ONLY COPY).

The authoritative reference and input builder live on the scoring server;
editing this copy changes nothing except your own understanding.
"""

import jax, jax.numpy as jnp
import numpy as np

N_NODES = 10000
N_EDGES = 320000
IN_DIM = 128
HID1 = 256
HID2 = 128
N_CLASSES = 40


def _glorot(key, shape):
    fan_in, fan_out = shape[0], shape[1]
    limit = jnp.sqrt(6.0 / (fan_in + fan_out))
    return jax.random.uniform(key, shape, jnp.float32, -limit, limit)


def setup_inputs(seed: int = 0) -> dict:
    key = jax.random.key(seed)
    ks = jax.random.split(key, 8)
    X = jax.random.normal(ks[0], (N_NODES, IN_DIM), dtype=jnp.float32)
    edge_index = jax.random.randint(ks[1], (2, N_EDGES), 0, N_NODES, dtype=jnp.int64 if jax.config.jax_enable_x64 else jnp.int32).astype(jnp.int32)
    W1 = _glorot(ks[2], (IN_DIM, HID1))
    b1 = jnp.zeros((HID1,), dtype=jnp.float32)
    W2 = _glorot(ks[3], (HID1, HID2))
    b2 = jnp.zeros((HID2,), dtype=jnp.float32)
    Wc = _glorot(ks[4], (HID2, N_CLASSES))
    bc = jnp.zeros((N_CLASSES,), dtype=jnp.float32)
    return {"X": X, "edge_index": edge_index, "W1": W1, "b1": b1, "W2": W2, "b2": b2, "Wc": Wc, "bc": bc}


def _gcn_norm(edge_index, num_nodes):
    # add self loops, compute symmetric normalization (GCNConv default)
    loop = jnp.arange(num_nodes, dtype=edge_index.dtype)
    src = jnp.concatenate([edge_index[0], loop])
    dst = jnp.concatenate([edge_index[1], loop])
    ones = jnp.ones(src.shape[0], dtype=jnp.float32)
    deg = jax.ops.segment_sum(ones, dst, num_segments=num_nodes)
    deg_inv_sqrt = jnp.where(deg > 0, jax.lax.rsqrt(jnp.maximum(deg, 1e-12)), 0.0)
    norm = deg_inv_sqrt[src] * deg_inv_sqrt[dst]
    return src, dst, norm


def _gcn_conv(X, src, dst, norm, W, b, num_nodes):
    h = X @ W
    msgs = h[src] * norm[:, None]
    out = jax.ops.segment_sum(msgs, dst, num_segments=num_nodes)
    return out + b


def reference(X, edge_index, W1, b1, W2, b2, Wc, bc):
    n = X.shape[0]
    src, dst, norm = _gcn_norm(edge_index, n)
    h = jax.nn.relu(_gcn_conv(X, src, dst, norm, W1, b1, n))
    h = jax.nn.relu(_gcn_conv(h, src, dst, norm, W2, b2, n))
    return h @ Wc + bc

if __name__ == "__main__":
    import jax
    _d = setup_inputs()
    print(jax.jit(kernel)(*tuple(_d.values())))

</pallas_src>

<mosaic_0001>
#map = affine_map<(d0, d1) -> (0, 0)>
#map1 = affine_map<(d0, d1) -> (0, 0, 0)>
module attributes {stable_mosaic.version = 14 : i64} {
  func.func @_deg_body(%arg0: i32, %arg1: i32, %arg2: memref<2560x128xi32, #tpu.memory_space<hbm>>, %arg3: memref<10112x128xf32, #tpu.memory_space<hbm>>, %arg4: memref<128x128xf32, #tpu.memory_space<hbm>>, %arg5: memref<2x10112x128xf32, #tpu.memory_space<hbm>>, %arg6: memref<10112x128xf32, #tpu.memory_space<vmem_shared>>, %arg7: memref<128x128xf32, #tpu.memory_space<vmem>>, %arg8: memref<80x128xi32, #tpu.memory_space<vmem>>, %arg9: memref<!tpu.dma_semaphore, #tpu.memory_space<semaphore_mem>>) attributes {dimension_semantics = [#tpu.dimension_semantics<core_parallel>, #tpu.dimension_semantics<subcore_parallel>], iteration_bounds = array<i64: 2, 16>, scalar_prefetch = 0 : i64, scratch_operands = 4 : i64, tpu.core_type = #tpu.core_type<sc_vector_subcore>, window_params = [{transform_indices = #map}, {transform_indices = #map}, {transform_indices = #map}, {transform_indices = #map1}]} {
    %mul3A = arith.constant 16 : i32
    %mul3A_0 = arith.muli %arg0, %mul3A : i32
    %add3A = arith.addi %mul3A_0, %arg1 : i32
    %mul3A_1 = arith.constant 632 : i32
    %mul3A_2 = arith.muli %arg1, %mul3A_1 : i32
    "tpu.region"() ({
      %run_scoped3A = tpu.sem_alloc : memref<!tpu.dma_semaphore, #tpu.memory_space<semaphore_mem>>
      %dma_start3A = arith.constant 0 : i32
      %dma_start3A_11 = tpu.memref_slice %arg6[%mul3A_2, %dma_start3A] : memref<10112x128xf32, #tpu.memory_space<vmem_shared>> -> memref<632x128xf32, #tpu.memory_space<vmem_shared>>
      %dma_start3A_12 = arith.constant 0 : i32
      %dma_start3A_13 = tpu.memref_slice %arg3[%mul3A_2, %dma_start3A_12] : memref<10112x128xf32, #tpu.memory_space<hbm>> -> memref<632x128xf32, #tpu.memory_space<hbm>>
      tpu.enqueue_dma source(%dma_start3A_13 : memref<632x128xf32, #tpu.memory_space<hbm>>) target(%dma_start3A_11 : memref<632x128xf32, #tpu.memory_space<vmem_shared>>) target_semaphore(%run_scoped3A : memref<!tpu.dma_semaphore, #tpu.memory_space<semaphore_mem>>)
      %dma_wait3A = arith.constant 0 : i32
      %dma_wait3A_14 = tpu.memref_slice %arg6[%mul3A_2, %dma_wait3A] : memref<10112x128xf32, #tpu.memory_space<vmem_shared>> -> memref<632x128xf32, #tpu.memory_space<vmem_shared>>
      %dma_wait3A_15 = arith.constant 0 : i32
      %dma_wait3A_16 = tpu.memref_slice %arg3[%mul3A_2, %dma_wait3A_15] : memref<10112x128xf32, #tpu.memory_space<hbm>> -> memref<632x128xf32, #tpu.memory_space<hbm>>
      tpu.wait_dma2 semaphore(%run_scoped3A : memref<!tpu.dma_semaphore, #tpu.memory_space<semaphore_mem>>) src(%dma_wait3A_16 : memref<632x128xf32, #tpu.memory_space<hbm>>) dst(%dma_wait3A_14 : memref<632x128xf32, #tpu.memory_space<vmem_shared>>)
      tpu.yield
    }) : () -> ()
    "tpu.region"() ({
      %run_scoped3A = tpu.sem_alloc : memref<!tpu.dma_semaphore, #tpu.memory_space<semaphore_mem>>
      tpu.enqueue_dma source(%arg4 : memref<128x128xf32, #tpu.memory_space<hbm>>) target(%arg7 : memref<128x128xf32, #tpu.memory_space<vmem>>) target_semaphore(%run_scoped3A : memref<!tpu.dma_semaphore, #tpu.memory_space<semaphore_mem>>)
      tpu.wait_dma2 semaphore(%run_scoped3A : memref<!tpu.dma_semaphore, #tpu.memory_space<semaphore_mem>>) src(%arg4 : memref<128x128xf32, #tpu.memory_space<hbm>>) dst(%arg7 : memref<128x128xf32, #tpu.memory_space<vmem>>)
      tpu.yield
    }) : () -> ()
    %mul3A_3 = arith.constant 80 : i32
    %mul3A_4 = arith.muli %add3A, %mul3A_3 : i32
    "tpu.region"() ({
      %run_scoped3A = tpu.sem_alloc : memref<!tpu.dma_semaphore, #tpu.memory_space<semaphore_mem>>
      %dma_start3A = arith.constant 0 : i32
      %dma_start3A_11 = tpu.memref_slice %arg2[%mul3A_4, %dma_start3A] : memref<2560x128xi32, #tpu.memory_space<hbm>> -> memref<80x128xi32, #tpu.memory_space<hbm>>
      %dma_start3A_12 = arith.constant 0 : i32
      %dma_start3A_13 = tpu.memref_slice %arg2[%mul3A_4, %dma_start3A_12] : memref<2560x128xi32, #tpu.memory_space<hbm>> -> memref<80x128xi32, #tpu.memory_space<hbm>>
      tpu.enqueue_dma source(%dma_start3A_13 : memref<80x128xi32, #tpu.memory_space<hbm>>) target(%arg8 : memref<80x128xi32, #tpu.memory_space<vmem>>) target_semaphore(%run_scoped3A : memref<!tpu.dma_semaphore, #tpu.memory_space<semaphore_mem>>)
      %dma_wait3A = arith.constant 0 : i32
      %dma_wait3A_14 = tpu.memref_slice %arg2[%mul3A_4, %dma_wait3A] : memref<2560x128xi32, #tpu.memory_space<hbm>> -> memref<80x128xi32, #tpu.memory_space<hbm>>
      %dma_wait3A_15 = arith.constant 0 : i32
      %dma_wait3A_16 = tpu.memref_slice %arg2[%mul3A_4, %dma_wait3A_15] : memref<2560x128xi32, #tpu.memory_space<hbm>> -> memref<80x128xi32, #tpu.memory_space<hbm>>
      tpu.wait_dma2 semaphore(%run_scoped3A : memref<!tpu.dma_semaphore, #tpu.memory_space<semaphore_mem>>) src(%dma_wait3A_16 : memref<80x128xi32, #tpu.memory_space<hbm>>) dst(%arg8 : memref<80x128xi32, #tpu.memory_space<vmem>>)
      tpu.yield
    }) : () -> ()
    %barrier3A = arith.constant 0 : index
    tpu.barrier barrier_id(%barrier3A)
    %scan3A = arith.constant 0 : i32
    %scan3A_5 = arith.constant 0 : i32
    %scan3A_6 = arith.constant 10 : i32
    %scan3A_7 = arith.addi %scan3A_5, %scan3A_6 : i32
    %scan3A_8 = arith.constant 1 : i32
    scf.for %scan3A_11 = %scan3A_5 to %scan3A_7 step %scan3A_8  : i32 {
      %mul3A_12 = arith.constant 8 : i32
      %mul3A_13 = arith.muli %scan3A_11, %mul3A_12 : i32
      %add3A_14 = arith.constant 0 : i32
      %add3A_15 = arith.addi %mul3A_13, %add3A_14 : i32
      %dma_start3A = arith.constant 0 : i32
      %dma_start3A_16 = tpu.memref_slice %arg8[%add3A_15, %dma_start3A] : memref<80x128xi32, #tpu.memory_space<vmem>> -> memref<1x128xi32, #tpu.memory_space<vmem>>
      %dma_start3A_17 = tpu.memref_squeeze %dma_start3A_16 : memref<1x128xi32, #tpu.memory_space<vmem>> -> memref<128xi32, #tpu.memory_space<vmem>>
      %dma_start3A_18 = arith.constant 0 : i32
      %dma_start3A_19 = arith.constant 0 : i32
      %dma_start3A_20 = tpu.memref_slice %arg6[%dma_start3A_18, %dma_start3A_19] : memref<10112x128xf32, #tpu.memory_space<vmem_shared>> -> memref<10112x128xf32, #tpu.memory_space<vmem_shared>>
      tpu.enqueue_indirect_dma source(%arg7 : memref<128x128xf32, #tpu.memory_space<vmem>>) target(%dma_start3A_20 : memref<10112x128xf32, #tpu.memory_space<vmem_shared>>) offsets(%dma_start3A_17 : memref<128xi32, #tpu.memory_space<vmem>>) semaphore(%arg9 : memref<!tpu.dma_semaphore, #tpu.memory_space<semaphore_mem>>) {add = true}
      %add3A_21 = arith.constant 1 : i32
      %add3A_22 = arith.addi %mul3A_13, %add3A_21 : i32
      %dma_start3A_23 = arith.constant 0 : i32
      %dma_start3A_24 = tpu.memref_slice %arg8[%add3A_22, %dma_start3A_23] : memref<80x128xi32, #tpu.memory_space<vmem>> -> memref<1x128xi32, #tpu.memory_space<vmem>>
      %dma_start3A_25 = tpu.memref_squeeze %dma_start3A_24 : memref<1x128xi32, #tpu.memory_space<vmem>> -> memref<128xi32, #tpu.memory_space<vmem>>
      %dma_start3A_26 = arith.constant 0 : i32
      %dma_start3A_27 = arith.constant 0 : i32
      %dma_start3A_28 = tpu.memref_slice %arg6[%dma_start3A_26, %dma_start3A_27] : memref<10112x128xf32, #tpu.memory_space<vmem_shared>> -> memref<10112x128xf32, #tpu.memory_space<vmem_shared>>
      tpu.enqueue_indirect_dma source(%arg7 : memref<128x128xf32, #tpu.memory_space<vmem>>) target(%dma_start3A_28 : memref<10112x128xf32, #tpu.memory_space<vmem_shared>>) offsets(%dma_start3A_25 : memref<128xi32, #tpu.memory_space<vmem>>) semaphore(%arg9 : memref<!tpu.dma_semaphore, #tpu.memory_space<semaphore_mem>>) {add = true}
      %add3A_29 = arith.constant 2 : i32
      %add3A_30 = arith.addi %mul3A_13, %add3A_29 : i32
      %dma_start3A_31 = arith.constant 0 : i32
      %dma_start3A_32 = tpu.memref_slice %arg8[%add3A_30, %dma_start3A_31] : memref<80x128xi32, #tpu.memory_space<vmem>> -> memref<1x128xi32, #tpu.memory_space<vmem>>
      %dma_start3A_33 = tpu.memref_squeeze %dma_start3A_32 : memref<1x128xi32, #tpu.memory_space<vmem>> -> memref<128xi32, #tpu.memory_space<vmem>>
      %dma_start3A_34 = arith.constant 0 : i32
      %dma_start3A_35 = arith.constant 0 : i32
      %dma_start3A_36 = tpu.memref_slice %arg6[%dma_start3A_34, %dma_start3A_35] : memref<10112x128xf32, #tpu.memory_space<vmem_shared>> -> memref<10112x128xf32, #tpu.memory_space<vmem_shared>>
      tpu.enqueue_indirect_dma source(%arg7 : memref<128x128xf32, #tpu.memory_space<vmem>>) target(%dma_start3A_36 : memref<10112x128xf32, #tpu.memory_space<vmem_shared>>) offsets(%dma_start3A_33 : memref<128xi32, #tpu.memory_space<vmem>>) semaphore(%arg9 : memref<!tpu.dma_semaphore, #tpu.memory_space<semaphore_mem>>) {add = true}
      %add3A_37 = arith.constant 3 : i32
      %add3A_38 = arith.addi %mul3A_13, %add3A_37 : i32
      %dma_start3A_39 = arith.constant 0 : i32
      %dma_start3A_40 = tpu.memref_slice %arg8[%add3A_38, %dma_start3A_39] : memref<80x128xi32, #tpu.memory_space<vmem>> -> memref<1x128xi32, #tpu.memory_space<vmem>>
      %dma_start3A_41 = tpu.memref_squeeze %dma_start3A_40 : memref<1x128xi32, #tpu.memory_space<vmem>> -> memref<128xi32, #tpu.memory_space<vmem>>
      %dma_start3A_42 = arith.constant 0 : i32
      %dma_start3A_43 = arith.constant 0 : i32
      %dma_start3A_44 = tpu.memref_slice %arg6[%dma_start3A_42, %dma_start3A_43] : memref<10112x128xf32, #tpu.memory_space<vmem_shared>> -> memref<10112x128xf32, #tpu.memory_space<vmem_shared>>
      tpu.enqueue_indirect_dma source(%arg7 : memref<128x128xf32, #tpu.memory_space<vmem>>) target(%dma_start3A_44 : memref<10112x128xf32, #tpu.memory_space<vmem_shared>>) offsets(%dma_start3A_41 : memref<128xi32, #tpu.memory_space<vmem>>) semaphore(%arg9 : memref<!tpu.dma_semaphore, #tpu.memory_space<semaphore_mem>>) {add = true}
      %add3A_45 = arith.constant 4 : i32
      %add3A_46 = arith.addi %mul3A_13, %add3A_45 : i32
      %dma_start3A_47 = arith.constant 0 : i32
      %dma_start3A_48 = tpu.memref_slice %arg8[%add3A_46, %dma_start3A_47] : memref<80x128xi32, #tpu.memory_space<vmem>> -> memref<1x128xi32, #tpu.memory_space<vmem>>
      %dma_start3A_49 = tpu.memref_squeeze %dma_start3A_48 : memref<1x128xi32, #tpu.memory_space<vmem>> -> memref<128xi32, #tpu.memory_space<vmem>>
      %dma_start3A_50 = arith.constant 0 : i32
      %dma_start3A_51 = arith.constant 0 : i32
      %dma_start3A_52 = tpu.memref_slice %arg6[%dma_start3A_50, %dma_start3A_51] : memref<10112x128xf32, #tpu.memory_space<vmem_shared>> -> memref<10112x128xf32, #tpu.memory_space<vmem_shared>>
      tpu.enqueue_indirect_dma source(%arg7 : memref<128x128xf32, #tpu.memory_space<vmem>>) target(%dma_start3A_52 : memref<10112x128xf32, #tpu.memory_space<vmem_shared>>) offsets(%dma_start3A_49 : memref<128xi32, #tpu.memory_space<vmem>>) semaphore(%arg9 : memref<!tpu.dma_semaphore, #tpu.memory_space<semaphore_mem>>) {add = true}
      %add3A_53 = arith.constant 5 : i32
      %add3A_54 = arith.addi %mul3A_13, %add3A_53 : i32
      %dma_start3A_55 = arith.constant 0 : i32
      %dma_start3A_56 = tpu.memref_slice %arg8[%add3A_54, %dma_start3A_55] : memref<80x128xi32, #tpu.memory_space<vmem>> -> memref<1x128xi32, #tpu.memory_space<vmem>>
      %dma_start3A_57 = tpu.memref_squeeze %dma_start3A_56 : memref<1x128xi32, #tpu.memory_space<vmem>> -> memref<128xi32, #tpu.memory_space<vmem>>
      %dma_start3A_58 = arith.constant 0 : i32
      %dma_start3A_59 = arith.constant 0 : i32
      %dma_start3A_60 = tpu.memref_slice %arg6[%dma_start3A_58, %dma_start3A_59] : memref<10112x128xf32, #tpu.memory_space<vmem_shared>> -> memref<10112x128xf32, #tpu.memory_space<vmem_shared>>
      tpu.enqueue_indirect_dma source(%arg7 : memref<128x128xf32, #tpu.memory_space<vmem>>) target(%dma_start3A_60 : memref<10112x128xf32, #tpu.memory_space<vmem_shared>>) offsets(%dma_start3A_57 : memref<128xi32, #tpu.memory_space<vmem>>) semaphore(%arg9 : memref<!tpu.dma_semaphore, #tpu.memory_space<semaphore_mem>>) {add = true}
      %add3A_61 = arith.constant 6 : i32
      %add3A_62 = arith.addi %mul3A_13, %add3A_61 : i32
      %dma_start3A_63 = arith.constant 0 : i32
      %dma_start3A_64 = tpu.memref_slice %arg8[%add3A_62, %dma_start3A_63] : memref<80x128xi32, #tpu.memory_space<vmem>> -> memref<1x128xi32, #tpu.memory_space<vmem>>
      %dma_start3A_65 = tpu.memref_squeeze %dma_start3A_64 : memref<1x128xi32, #tpu.memory_space<vmem>> -> memref<128xi32, #tpu.memory_space<vmem>>
      %dma_start3A_66 = arith.constant 0 : i32
      %dma_start3A_67 = arith.constant 0 : i32
      %dma_start3A_68 = tpu.memref_slice %arg6[%dma_start3A_66, %dma_start3A_67] : memref<10112x128xf32, #tpu.memory_space<vmem_shared>> -> memref<10112x128xf32, #tpu.memory_space<vmem_shared>>
      tpu.enqueue_indirect_dma source(%arg7 : memref<128x128xf32, #tpu.memory_space<vmem>>) target(%dma_start3A_68 : memref<10112x128xf32, #tpu.memory_space<vmem_shared>>) offsets(%dma_start3A_65 : memref<128xi32, #tpu.memory_space<vmem>>) semaphore(%arg9 : memref<!tpu.dma_semaphore, #tpu.memory_space<semaphore_mem>>) {add = true}
      %add3A_69 = arith.constant 7 : i32
      %add3A_70 = arith.addi %mul3A_13, %add3A_69 : i32
      %dma_start3A_71 = arith.constant 0 : i32
      %dma_start3A_72 = tpu.memref_slice %arg8[%add3A_70, %dma_start3A_71] : memref<80x128xi32, #tpu.memory_space<vmem>> -> memref<1x128xi32, #tpu.memory_space<vmem>>
      %dma_start3A_73 = tpu.memref_squeeze %dma_start3A_72 : memref<1x128xi32, #tpu.memory_space<vmem>> -> memref<128xi32, #tpu.memory_space<vmem>>
      %dma_start3A_74 = arith.constant 0 : i32
      %dma_start3A_75 = arith.constant 0 : i32
      %dma_start3A_76 = tpu.memref_slice %arg6[%dma_start3A_74, %dma_start3A_75] : memref<10112x128xf32, #tpu.memory_space<vmem_shared>> -> memref<10112x128xf32, #tpu.memory_space<vmem_shared>>
      tpu.enqueue_indirect_dma source(%arg7 : memref<128x128xf32, #tpu.memory_space<vmem>>) target(%dma_start3A_76 : memref<10112x128xf32, #tpu.memory_space<vmem_shared>>) offsets(%dma_start3A_73 : memref<128xi32, #tpu.memory_space<vmem>>) semaphore(%arg9 : memref<!tpu.dma_semaphore, #tpu.memory_space<semaphore_mem>>) {add = true}
      %dma_wait3A = arith.constant 0 : i32
      %dma_wait3A_77 = tpu.memref_slice %arg8[%mul3A_13, %dma_wait3A] : memref<80x128xi32, #tpu.memory_space<vmem>> -> memref<1x128xi32, #tpu.memory_space<vmem>>
      %dma_wait3A_78 = tpu.memref_squeeze %dma_wait3A_77 : memref<1x128xi32, #tpu.memory_space<vmem>> -> memref<128xi32, #tpu.memory_space<vmem>>
      %dma_wait3A_79 = arith.constant 0 : i32
      %dma_wait3A_80 = arith.constant 0 : i32
      %dma_wait3A_81 = tpu.memref_slice %arg6[%dma_wait3A_79, %dma_wait3A_80] : memref<10112x128xf32, #tpu.memory_space<vmem_shared>> -> memref<10112x128xf32, #tpu.memory_space<vmem_shared>>
      tpu.wait_indirect_dma semaphore(%arg9 : memref<!tpu.dma_semaphore, #tpu.memory_space<semaphore_mem>>) src(%arg7 : memref<128x128xf32, #tpu.memory_space<vmem>>) dst(%dma_wait3A_81 : memref<10112x128xf32, #tpu.memory_space<vmem_shared>>)
      %dma_wait3A_82 = arith.constant 0 : i32
      %dma_wait3A_83 = tpu.memref_slice %arg8[%mul3A_13, %dma_wait3A_82] : memref<80x128xi32, #tpu.memory_space<vmem>> -> memref<1x128xi32, #tpu.memory_space<vmem>>
      %dma_wait3A_84 = tpu.memref_squeeze %dma_wait3A_83 : memref<1x128xi32, #tpu.memory_space<vmem>> -> memref<128xi32, #tpu.memory_space<vmem>>
      %dma_wait3A_85 = arith.constant 0 : i32
      %dma_wait3A_86 = arith.constant 0 : i32
      %dma_wait3A_87 = tpu.memref_slice %arg6[%dma_wait3A_85, %dma_wait3A_86] : memref<10112x128xf32, #tpu.memory_space<vmem_shared>> -> memref<10112x128xf32, #tpu.memory_space<vmem_shared>>
      tpu.wait_indirect_dma semaphore(%arg9 : memref<!tpu.dma_semaphore, #tpu.memory_space<semaphore_mem>>) src(%arg7 : memref<128x128xf32, #tpu.memory_space<vmem>>) dst(%dma_wait3A_87 : memref<10112x128xf32, #tpu.memory_space<vmem_shared>>)
      %dma_wait3A_88 = arith.constant 0 : i32
      %dma_wait3A_89 = tpu.memref_slice %arg8[%mul3A_13, %dma_wait3A_88] : memref<80x128xi32, #tpu.memory_space<vmem>> -> memref<1x128xi32, #tpu.memory_space<vmem>>
      %dma_wait3A_90 = tpu.memref_squeeze %dma_wait3A_89 : memref<1x128xi32, #tpu.memory_space<vmem>> -> memref<128xi32, #tpu.memory_space<vmem>>
      %dma_wait3A_91 = arith.constant 0 : i32
      %dma_wait3A_92 = arith.constant 0 : i32
      %dma_wait3A_93 = tpu.memref_slice %arg6[%dma_wait3A_91, %dma_wait3A_92] : memref<10112x128xf32, #tpu.memory_space<vmem_shared>> -> memref<10112x128xf32, #tpu.memory_space<vmem_shared>>
      tpu.wait_indirect_dma semaphore(%arg9 : memref<!tpu.dma_semaphore, #tpu.memory_space<semaphore_mem>>) src(%arg7 : memref<128x128xf32, #tpu.memory_space<vmem>>) dst(%dma_wait3A_93 : memref<10112x128xf32, #tpu.memory_space<vmem_shared>>)
      %dma_wait3A_94 = arith.constant 0 : i32
      %dma_wait3A_95 = tpu.memref_slice %arg8[%mul3A_13, %dma_wait3A_94] : memref<80x128xi32, #tpu.memory_space<vmem>> -> memref<1x128xi32, #tpu.memory_space<vmem>>
      %dma_wait3A_96 = tpu.memref_squeeze %dma_wait3A_95 : memref<1x128xi32, #tpu.memory_space<vmem>> -> memref<128xi32, #tpu.memory_space<vmem>>
      %dma_wait3A_97 = arith.constant 0 : i32
      %dma_wait3A_98 = arith.constant 0 : i32
      %dma_wait3A_99 = tpu.memref_slice %arg6[%dma_wait3A_97, %dma_wait3A_98] : memref<10112x128xf32, #tpu.memory_space<vmem_shared>> -> memref<10112x128xf32, #tpu.memory_space<vmem_shared>>
      tpu.wait_indirect_dma semaphore(%arg9 : memref<!tpu.dma_semaphore, #tpu.memory_space<semaphore_mem>>) src(%arg7 : memref<128x128xf32, #tpu.memory_space<vmem>>) dst(%dma_wait3A_99 : memref<10112x128xf32, #tpu.memory_space<vmem_shared>>)
      %dma_wait3A_100 = arith.constant 0 : i32
      %dma_wait3A_101 = tpu.memref_slice %arg8[%mul3A_13, %dma_wait3A_100] : memref<80x128xi32, #tpu.memory_space<vmem>> -> memref<1x128xi32, #tpu.memory_space<vmem>>
      %dma_wait3A_102 = tpu.memref_squeeze %dma_wait3A_101 : memref<1x128xi32, #tpu.memory_space<vmem>> -> memref<128xi32, #tpu.memory_space<vmem>>
      %dma_wait3A_103 = arith.constant 0 : i32
      %dma_wait3A_104 = arith.constant 0 : i32
      %dma_wait3A_105 = tpu.memref_slice %arg6[%dma_wait3A_103, %dma_wait3A_104] : memref<10112x128xf32, #tpu.memory_space<vmem_shared>> -> memref<10112x128xf32, #tpu.memory_space<vmem_shared>>
      tpu.wait_indirect_dma semaphore(%arg9 : memref<!tpu.dma_semaphore, #tpu.memory_space<semaphore_mem>>) src(%arg7 : memref<128x128xf32, #tpu.memory_space<vmem>>) dst(%dma_wait3A_105 : memref<10112x128xf32, #tpu.memory_space<vmem_shared>>)
      %dma_wait3A_106 = arith.constant 0 : i32
      %dma_wait3A_107 = tpu.memref_slice %arg8[%mul3A_13, %dma_wait3A_106] : memref<80x128xi32, #tpu.memory_space<vmem>> -> memref<1x128xi32, #tpu.memory_space<vmem>>
      %dma_wait3A_108 = tpu.memref_squeeze %dma_wait3A_107 : memref<1x128xi32, #tpu.memory_space<vmem>> -> memref<128xi32, #tpu.memory_space<vmem>>
      %dma_wait3A_109 = arith.constant 0 : i32
      %dma_wait3A_110 = arith.constant 0 : i32
      %dma_wait3A_111 = tpu.memref_slice %arg6[%dma_wait3A_109, %dma_wait3A_110] : memref<10112x128xf32, #tpu.memory_space<vmem_shared>> -> memref<10112x128xf32, #tpu.memory_space<vmem_shared>>
      tpu.wait_indirect_dma semaphore(%arg9 : memref<!tpu.dma_semaphore, #tpu.memory_space<semaphore_mem>>) src(%arg7 : memref<128x128xf32, #tpu.memory_space<vmem>>) dst(%dma_wait3A_111 : memref<10112x128xf32, #tpu.memory_space<vmem_shared>>)
      %dma_wait3A_112 = arith.constant 0 : i32
      %dma_wait3A_113 = tpu.memref_slice %arg8[%mul3A_13, %dma_wait3A_112] : memref<80x128xi32, #tpu.memory_space<vmem>> -> memref<1x128xi32, #tpu.memory_space<vmem>>
      %dma_wait3A_114 = tpu.memref_squeeze %dma_wait3A_113 : memref<1x128xi32, #tpu.memory_space<vmem>> -> memref<128xi32, #tpu.memory_space<vmem>>
      %dma_wait3A_115 = arith.constant 0 : i32
      %dma_wait3A_116 = arith.constant 0 : i32
      %dma_wait3A_117 = tpu.memref_slice %arg6[%dma_wait3A_115, %dma_wait3A_116] : memref<10112x128xf32, #tpu.memory_space<vmem_shared>> -> memref<10112x128xf32, #tpu.memory_space<vmem_shared>>
      tpu.wait_indirect_dma semaphore(%arg9 : memref<!tpu.dma_semaphore, #tpu.memory_space<semaphore_mem>>) src(%arg7 : memref<128x128xf32, #tpu.memory_space<vmem>>) dst(%dma_wait3A_117 : memref<10112x128xf32, #tpu.memory_space<vmem_shared>>)
      %dma_wait3A_118 = arith.constant 0 : i32
      %dma_wait3A_119 = tpu.memref_slice %arg8[%mul3A_13, %dma_wait3A_118] : memref<80x128xi32, #tpu.memory_space<vmem>> -> memref<1x128xi32, #tpu.memory_space<vmem>>
      %dma_wait3A_120 = tpu.memref_squeeze %dma_wait3A_119 : memref<1x128xi32, #tpu.memory_space<vmem>> -> memref<128xi32, #tpu.memory_space<vmem>>
      %dma_wait3A_121 = arith.constant 0 : i32
      %dma_wait3A_122 = arith.constant 0 : i32
      %dma_wait3A_123 = tpu.memref_slice %arg6[%dma_wait3A_121, %dma_wait3A_122] : memref<10112x128xf32, #tpu.memory_space<vmem_shared>> -> memref<10112x128xf32, #tpu.memory_space<vmem_shared>>
      tpu.wait_indirect_dma semaphore(%arg9 : memref<!tpu.dma_semaphore, #tpu.memory_space<semaphore_mem>>) src(%arg7 : memref<128x128xf32, #tpu.memory_space<vmem>>) dst(%dma_wait3A_123 : memref<10112x128xf32, #tpu.memory_space<vmem_shared>>)
    }
    %scan3A_9 = arith.constant 10 : i32
    %barrier3A_10 = arith.constant 0 : index
    tpu.barrier barrier_id(%barrier3A_10)
    "tpu.region"() ({
      %run_scoped3A = tpu.sem_alloc : memref<!tpu.dma_semaphore, #tpu.memory_space<semaphore_mem>>
      %dma_start3A = arith.constant 0 : i32
      %dma_start3A_11 = tpu.memref_slice %arg5[%arg0, %mul3A_2, %dma_start3A] : memref<2x10112x128xf32, #tpu.memory_space<hbm>> -> memref<1x632x128xf32, #tpu.memory_space<hbm>>
      %dma_start3A_12 = tpu.memref_squeeze %dma_start3A_11 : memref<1x632x128xf32, #tpu.memory_space<hbm>> -> memref<632x128xf32, #tpu.memory_space<hbm>>
      %dma_start3A_13 = arith.constant 0 : i32
      %dma_start3A_14 = tpu.memref_slice %arg6[%mul3A_2, %dma_start3A_13] : memref<10112x128xf32, #tpu.memory_space<vmem_shared>> -> memref<632x128xf32, #tpu.memory_space<vmem_shared>>
      tpu.enqueue_dma source(%dma_start3A_14 : memref<632x128xf32, #tpu.memory_space<vmem_shared>>) target(%dma_start3A_12 : memref<632x128xf32, #tpu.memory_space<hbm>>) target_semaphore(%run_scoped3A : memref<!tpu.dma_semaphore, #tpu.memory_space<semaphore_mem>>)
      %dma_wait3A = arith.constant 0 : i32
      %dma_wait3A_15 = tpu.memref_slice %arg5[%arg0, %mul3A_2, %dma_wait3A] : memref<2x10112x128xf32, #tpu.memory_space<hbm>> -> memref<1x632x128xf32, #tpu.memory_space<hbm>>
      %dma_wait3A_16 = tpu.memref_squeeze %dma_wait3A_15 : memref<1x632x128xf32, #tpu.memory_space<hbm>> -> memref<632x128xf32, #tpu.memory_space<hbm>>
      %dma_wait3A_17 = arith.constant 0 : i32
      %dma_wait3A_18 = tpu.memref_slice %arg6[%mul3A_2, %dma_wait3A_17] : memref<10112x128xf32, #tpu.memory_space<vmem_shared>> -> memref<632x128xf32, #tpu.memory_space<vmem_shared>>
      tpu.wait_dma2 semaphore(%run_scoped3A : memref<!tpu.dma_semaphore, #tpu.memory_space<semaphore_mem>>) src(%dma_wait3A_18 : memref<632x128xf32, #tpu.memory_space<vmem_shared>>) dst(%dma_wait3A_16 : memref<632x128xf32, #tpu.memory_space<hbm>>)
      tpu.yield
    }) : () -> ()
    return
  }
}

#map = affine_map<(d0, d1) -> (0, 0)>
#map1 = affine_map<(d0, d1) -> (0)>
#map2 = affine_map<(d0, d1) -> (0, 0, 0)>
module attributes {stable_mosaic.version = 14 : i64} {
  func.func @_pass_body(%arg0: i32, %arg1: i32, %arg2: memref<10000x128xf32, #tpu.memory_space<hbm>>, %arg3: memref<320000xi32, #tpu.memory_space<hbm>>, %arg4: memref<320000xi32, #tpu.memory_space<hbm>>, %arg5: memref<10112x128xf32, #tpu.memory_space<hbm>>, %arg6: memref<2x10112x128xf32, #tpu.memory_space<hbm>>, %arg7: memref<10112x128xf32, #tpu.memory_space<vmem_shared>>, %arg8: memref<128xi32, #tpu.memory_space<vmem>>, %arg9: memref<128xi32, #tpu.memory_space<vmem>>, %arg10: memref<128x128xf32, #tpu.memory_space<vmem>>, %arg11: memref<16xi32, #tpu.memory_space<vmem>>, %arg12: memref<16xi32, #tpu.memory_space<vmem>>, %arg13: memref<16x128xf32, #tpu.memory_space<vmem>>, %arg14: memref<!tpu.dma_semaphore, #tpu.memory_space<semaphore_mem>>) attributes {dimension_semantics = [#tpu.dimension_semantics<core_parallel>, #tpu.dimension_semantics<subcore_parallel>], iteration_bounds = array<i64: 2, 16>, scalar_prefetch = 0 : i64, scratch_operands = 8 : i64, tpu.core_type = #tpu.core_type<sc_vector_subcore>, window_params = [{transform_indices = #map}, {transform_indices = #map1}, {transform_indices = #map1}, {transform_indices = #map}, {transform_indices = #map2}]} {
    %mul3A = arith.constant 16 : i32
    %mul3A_0 = arith.muli %arg0, %mul3A : i32
    %add3A = arith.addi %mul3A_0, %arg1 : i32
    %mul3A_1 = arith.constant 632 : i32
    %mul3A_2 = arith.muli %arg1, %mul3A_1 : i32
    %mul3A_3 = arith.constant 10000 : i32
    %mul3A_4 = arith.muli %add3A, %mul3A_3 : i32
    "tpu.region"() ({
      %run_scoped3A = tpu.sem_alloc : memref<!tpu.dma_semaphore, #tpu.memory_space<semaphore_mem>>
      %dma_start3A_17 = arith.constant 0 : i32
      %dma_start3A_18 = tpu.memref_slice %arg7[%mul3A_2, %dma_start3A_17] : memref<10112x128xf32, #tpu.memory_space<vmem_shared>> -> memref<632x128xf32, #tpu.memory_space<vmem_shared>>
      %dma_start3A_19 = arith.constant 0 : i32
      %dma_start3A_20 = tpu.memref_slice %arg5[%mul3A_2, %dma_start3A_19] : memref<10112x128xf32, #tpu.memory_space<hbm>> -> memref<632x128xf32, #tpu.memory_space<hbm>>
      tpu.enqueue_dma source(%dma_start3A_20 : memref<632x128xf32, #tpu.memory_space<hbm>>) target(%dma_start3A_18 : memref<632x128xf32, #tpu.memory_space<vmem_shared>>) target_semaphore(%run_scoped3A : memref<!tpu.dma_semaphore, #tpu.memory_space<semaphore_mem>>)
      %dma_wait3A_21 = arith.constant 0 : i32
      %dma_wait3A_22 = tpu.memref_slice %arg7[%mul3A_2, %dma_wait3A_21] : memref<10112x128xf32, #tpu.memory_space<vmem_shared>> -> memref<632x128xf32, #tpu.memory_space<vmem_shared>>
      %dma_wait3A_23 = arith.constant 0 : i32
      %dma_wait3A_24 = tpu.memref_slice %arg5[%mul3A_2, %dma_wait3A_23] : memref<10112x128xf32, #tpu.memory_space<hbm>> -> memref<632x128xf32, #tpu.memory_space<hbm>>
      tpu.wait_dma2 semaphore(%run_scoped3A : memref<!tpu.dma_semaphore, #tpu.memory_space<semaphore_mem>>) src(%dma_wait3A_24 : memref<632x128xf32, #tpu.memory_space<hbm>>) dst(%dma_wait3A_22 : memref<632x128xf32, #tpu.memory_space<vmem_shared>>)
      tpu.yield
    }) : () -> ()
    %barrier3A = arith.constant 0 : index
    tpu.barrier barrier_id(%barrier3A)
    %scan3A = arith.constant 0 : i32
    %scan3A_5 = arith.constant 0 : i32
    %scan3A_6 = arith.constant 78 : i32
    %scan3A_7 = arith.addi %scan3A_5, %scan3A_6 : i32
    %scan3A_8 = arith.constant 1 : i32
    scf.for %scan3A_17 = %scan3A_5 to %scan3A_7 step %scan3A_8  : i32 {
      %mul3A_18 = arith.constant 128 : i32
      %mul3A_19 = arith.muli %scan3A_17, %mul3A_18 : i32
      %add3A_20 = arith.addi %mul3A_4, %mul3A_19 : i32
      "tpu.region"() ({
        %run_scoped3A = tpu.sem_alloc : memref<!tpu.dma_semaphore, #tpu.memory_space<semaphore_mem>>
        %dma_start3A_27 = tpu.memref_slice %arg3[%add3A_20] : memref<320000xi32, #tpu.memory_space<hbm>> -> memref<128xi32, #tpu.memory_space<hbm>>
        %dma_start3A_28 = tpu.memref_slice %arg3[%add3A_20] : memref<320000xi32, #tpu.memory_space<hbm>> -> memref<128xi32, #tpu.memory_space<hbm>>
        tpu.enqueue_dma source(%dma_start3A_28 : memref<128xi32, #tpu.memory_space<hbm>>) target(%arg8 : memref<128xi32, #tpu.memory_space<vmem>>) target_semaphore(%run_scoped3A : memref<!tpu.dma_semaphore, #tpu.memory_space<semaphore_mem>>)
        %dma_wait3A_29 = tpu.memref_slice %arg3[%add3A_20] : memref<320000xi32, #tpu.memory_space<hbm>> -> memref<128xi32, #tpu.memory_space<hbm>>
        %dma_wait3A_30 = tpu.memref_slice %arg3[%add3A_20] : memref<320000xi32, #tpu.memory_space<hbm>> -> memref<128xi32, #tpu.memory_space<hbm>>
        tpu.wait_dma2 semaphore(%run_scoped3A : memref<!tpu.dma_semaphore, #tpu.memory_space<semaphore_mem>>) src(%dma_wait3A_30 : memref<128xi32, #tpu.memory_space<hbm>>) dst(%arg8 : memref<128xi32, #tpu.memory_space<vmem>>)
        tpu.yield
      }) : () -> ()
      "tpu.region"() ({
        %run_scoped3A = tpu.sem_alloc : memref<!tpu.dma_semaphore, #tpu.memory_space<semaphore_mem>>
        %dma_start3A_27 = tpu.memref_slice %arg4[%add3A_20] : memref<320000xi32, #tpu.memory_space<hbm>> -> memref<128xi32, #tpu.memory_space<hbm>>
        %dma_start3A_28 = tpu.memref_slice %arg4[%add3A_20] : memref<320000xi32, #tpu.memory_space<hbm>> -> memref<128xi32, #tpu.memory_space<hbm>>
        tpu.enqueue_dma source(%dma_start3A_28 : memref<128xi32, #tpu.memory_space<hbm>>) target(%arg9 : memref<128xi32, #tpu.memory_space<vmem>>) target_semaphore(%run_scoped3A : memref<!tpu.dma_semaphore, #tpu.memory_space<semaphore_mem>>)
        %dma_wait3A_29 = tpu.memref_slice %arg4[%add3A_20] : memref<320000xi32, #tpu.memory_space<hbm>> -> memref<128xi32, #tpu.memory_space<hbm>>
        %dma_wait3A_30 = tpu.memref_slice %arg4[%add3A_20] : memref<320000xi32, #tpu.memory_space<hbm>> -> memref<128xi32, #tpu.memory_space<hbm>>
        tpu.wait_dma2 semaphore(%run_scoped3A : memref<!tpu.dma_semaphore, #tpu.memory_space<semaphore_mem>>) src(%dma_wait3A_30 : memref<128xi32, #tpu.memory_space<hbm>>) dst(%arg9 : memref<128xi32, #tpu.memory_space<vmem>>)
        tpu.yield
      }) : () -> ()
      %dma_start3A_21 = arith.constant 0 : i32
      %dma_start3A_22 = arith.constant 0 : i32
      %dma_start3A_23 = tpu.memref_slice %arg2[%dma_start3A_21, %dma_start3A_22] : memref<10000x128xf32, #tpu.memory_space<hbm>> -> memref<10000x128xf32, #tpu.memory_space<hbm>>
      tpu.enqueue_indirect_dma source(%dma_start3A_23 : memref<10000x128xf32, #tpu.memory_space<hbm>>) target(%arg10 : memref<128x128xf32, #tpu.memory_space<vmem>>) offsets(%arg8 : memref<128xi32, #tpu.memory_space<vmem>>) semaphore(%arg14 : memref<!tpu.dma_semaphore, #tpu.memory_space<semaphore_mem>>)
      %dma_wait3A_24 = arith.constant 0 : i32
      %dma_wait3A_25 = arith.constant 0 : i32
      %dma_wait3A_26 = tpu.memref_slice %arg2[%dma_wait3A_24, %dma_wait3A_25] : memref<10000x128xf32, #tpu.memory_space<hbm>> -> memref<10000x128xf32, #tpu.memory_space<hbm>>
      tpu.wait_indirect_dma semaphore(%arg14 : memref<!tpu.dma_semaphore, #tpu.memory_space<semaphore_mem>>) src(%dma_wait3A_26 : memref<10000x128xf32, #tpu.memory_space<hbm>>) dst(%arg10 : memref<128x128xf32, #tpu.memory_space<vmem>>)
      "tpu.region"() ({
        %run_scoped3A = tpu.sem_alloc : memref<!tpu.dma_semaphore, #tpu.memory_space<semaphore_mem>>
        %dma_start3A_27 = arith.constant 0 : i32
        %dma_start3A_28 = arith.constant 0 : i32
        %dma_start3A_29 = tpu.memref_slice %arg7[%dma_start3A_27, %dma_start3A_28] : memref<10112x128xf32, #tpu.memory_space<vmem_shared>> -> memref<10112x128xf32, #tpu.memory_space<vmem_shared>>
        tpu.enqueue_indirect_dma source(%arg10 : memref<128x128xf32, #tpu.memory_space<vmem>>) target(%dma_start3A_29 : memref<10112x128xf32, #tpu.memory_space<vmem_shared>>) offsets(%arg9 : memref<128xi32, #tpu.memory_space<vmem>>) semaphore(%run_scoped3A : memref<!tpu.dma_semaphore, #tpu.memory_space<semaphore_mem>>) {add = true}
        %dma_wait3A_30 = arith.constant 0 : i32
        %dma_wait3A_31 = arith.constant 0 : i32
        %dma_wait3A_32 = tpu.memref_slice %arg7[%dma_wait3A_30, %dma_wait3A_31] : memref<10112x128xf32, #tpu.memory_space<vmem_shared>> -> memref<10112x128xf32, #tpu.memory_space<vmem_shared>>
        tpu.wait_indirect_dma semaphore(%run_scoped3A : memref<!tpu.dma_semaphore, #tpu.memory_space<semaphore_mem>>) src(%arg10 : memref<128x128xf32, #tpu.memory_space<vmem>>) dst(%dma_wait3A_32 : memref<10112x128xf32, #tpu.memory_space<vmem_shared>>)
        tpu.yield
      }) : () -> ()
    }
    %scan3A_9 = arith.constant 78 : i32
    %add3A_10 = arith.constant 9984 : i32
    %add3A_11 = arith.addi %mul3A_4, %add3A_10 : i32
    "tpu.region"() ({
      %run_scoped3A = tpu.sem_alloc : memref<!tpu.dma_semaphore, #tpu.memory_space<semaphore_mem>>
      %dma_start3A_17 = tpu.memref_slice %arg3[%add3A_11] : memref<320000xi32, #tpu.memory_space<hbm>> -> memref<16xi32, #tpu.memory_space<hbm>>
      %dma_start3A_18 = tpu.memref_slice %arg3[%add3A_11] : memref<320000xi32, #tpu.memory_space<hbm>> -> memref<16xi32, #tpu.memory_space<hbm>>
      tpu.enqueue_dma source(%dma_start3A_18 : memref<16xi32, #tpu.memory_space<hbm>>) target(%arg11 : memref<16xi32, #tpu.memory_space<vmem>>) target_semaphore(%run_scoped3A : memref<!tpu.dma_semaphore, #tpu.memory_space<semaphore_mem>>)
      %dma_wait3A_19 = tpu.memref_slice %arg3[%add3A_11] : memref<320000xi32, #tpu.memory_space<hbm>> -> memref<16xi32, #tpu.memory_space<hbm>>
      %dma_wait3A_20 = tpu.memref_slice %arg3[%add3A_11] : memref<320000xi32, #tpu.memory_space<hbm>> -> memref<16xi32, #tpu.memory_space<hbm>>
      tpu.wait_dma2 semaphore(%run_scoped3A : memref<!tpu.dma_semaphore, #tpu.memory_space<semaphore_mem>>) src(%dma_wait3A_20 : memref<16xi32, #tpu.memory_space<hbm>>) dst(%arg11 : memref<16xi32, #tpu.memory_space<vmem>>)
      tpu.yield
    }) : () -> ()
    "tpu.region"() ({
      %run_scoped3A = tpu.sem_alloc : memref<!tpu.dma_semaphore, #tpu.memory_space<semaphore_mem>>
      %dma_start3A_17 = tpu.memref_slice %arg4[%add3A_11] : memref<320000xi32, #tpu.memory_space<hbm>> -> memref<16xi32, #tpu.memory_space<hbm>>
      %dma_start3A_18 = tpu.memref_slice %arg4[%add3A_11] : memref<320000xi32, #tpu.memory_space<hbm>> -> memref<16xi32, #tpu.memory_space<hbm>>
      tpu.enqueue_dma source(%dma_start3A_18 : memref<16xi32, #tpu.memory_space<hbm>>) target(%arg12 : memref<16xi32, #tpu.memory_space<vmem>>) target_semaphore(%run_scoped3A : memref<!tpu.dma_semaphore, #tpu.memory_space<semaphore_mem>>)
      %dma_wait3A_19 = tpu.memref_slice %arg4[%add3A_11] : memref<320000xi32, #tpu.memory_space<hbm>> -> memref<16xi32, #tpu.memory_space<hbm>>
      %dma_wait3A_20 = tpu.memref_slice %arg4[%add3A_11] : memref<320000xi32, #tpu.memory_space<hbm>> -> memref<16xi32, #tpu.memory_space<hbm>>
      tpu.wait_dma2 semaphore(%run_scoped3A : memref<!tpu.dma_semaphore, #tpu.memory_space<semaphore_mem>>) src(%dma_wait3A_20 : memref<16xi32, #tpu.memory_space<hbm>>) dst(%arg12 : memref<16xi32, #tpu.memory_space<vmem>>)
      tpu.yield
    }) : () -> ()
    %dma_start3A = arith.constant 0 : i32
    %dma_start3A_12 = arith.constant 0 : i32
    %dma_start3A_13 = tpu.memref_slice %arg2[%dma_start3A, %dma_start3A_12] : memref<10000x128xf32, #tpu.memory_space<hbm>> -> memref<10000x128xf32, #tpu.memory_space<hbm>>
    tpu.enqueue_indirect_dma source(%dma_start3A_13 : memref<10000x128xf32, #tpu.memory_space<hbm>>) target(%arg13 : memref<16x128xf32, #tpu.memory_space<vmem>>) offsets(%arg11 : memref<16xi32, #tpu.memory_space<vmem>>) semaphore(%arg14 : memref<!tpu.dma_semaphore, #tpu.memory_space<semaphore_mem>>)
    %dma_wait3A = arith.constant 0 : i32
    %dma_wait3A_14 = arith.constant 0 : i32
    %dma_wait3A_15 = tpu.memref_slice %arg2[%dma_wait3A, %dma_wait3A_14] : memref<10000x128xf32, #tpu.memory_space<hbm>> -> memref<10000x128xf32, #tpu.memory_space<hbm>>
    tpu.wait_indirect_dma semaphore(%arg14 : memref<!tpu.dma_semaphore, #tpu.memory_space<semaphore_mem>>) src(%dma_wait3A_15 : memref<10000x128xf32, #tpu.memory_space<hbm>>) dst(%arg13 : memref<16x128xf32, #tpu.memory_space<vmem>>)
    "tpu.region"() ({
      %run_scoped3A = tpu.sem_alloc : memref<!tpu.dma_semaphore, #tpu.memory_space<semaphore_mem>>
      %dma_start3A_17 = arith.constant 0 : i32
      %dma_start3A_18 = arith.constant 0 : i32
      %dma_start3A_19 = tpu.memref_slice %arg7[%dma_start3A_17, %dma_start3A_18] : memref<10112x128xf32, #tpu.memory_space<vmem_shared>> -> memref<10112x128xf32, #tpu.memory_space<vmem_shared>>
      tpu.enqueue_indirect_dma source(%arg13 : memref<16x128xf32, #tpu.memory_space<vmem>>) target(%dma_start3A_19 : memref<10112x128xf32, #tpu.memory_space<vmem_shared>>) offsets(%arg12 : memref<16xi32, #tpu.memory_space<vmem>>) semaphore(%run_scoped3A : memref<!tpu.dma_semaphore, #tpu.memory_space<semaphore_mem>>) {add = true}
      %dma_wait3A_20 = arith.constant 0 : i32
      %dma_wait3A_21 = arith.constant 0 : i32
      %dma_wait3A_22 = tpu.memref_slice %arg7[%dma_wait3A_20, %dma_wait3A_21] : memref<10112x128xf32, #tpu.memory_space<vmem_shared>> -> memref<10112x128xf32, #tpu.memory_space<vmem_shared>>
      tpu.wait_indirect_dma semaphore(%run_scoped3A : memref<!tpu.dma_semaphore, #tpu.memory_space<semaphore_mem>>) src(%arg13 : memref<16x128xf32, #tpu.memory_space<vmem>>) dst(%dma_wait3A_22 : memref<10112x128xf32, #tpu.memory_space<vmem_shared>>)
      tpu.yield
    }) : () -> ()
    %barrier3A_16 = arith.constant 0 : index
    tpu.barrier barrier_id(%barrier3A_16)
    "tpu.region"() ({
      %run_scoped3A = tpu.sem_alloc : memref<!tpu.dma_semaphore, #tpu.memory_space<semaphore_mem>>
      %dma_start3A_17 = arith.constant 0 : i32
      %dma_start3A_18 = tpu.memref_slice %arg6[%arg0, %mul3A_2, %dma_start3A_17] : memref<2x10112x128xf32, #tpu.memory_space<hbm>> -> memref<1x632x128xf32, #tpu.memory_space<hbm>>
      %dma_start3A_19 = tpu.memref_squeeze %dma_start3A_18 : memref<1x632x128xf32, #tpu.memory_space<hbm>> -> memref<632x128xf32, #tpu.memory_space<hbm>>
      %dma_start3A_20 = arith.constant 0 : i32
      %dma_start3A_21 = tpu.memref_slice %arg7[%mul3A_2, %dma_start3A_20] : memref<10112x128xf32, #tpu.memory_space<vmem_shared>> -> memref<632x128xf32, #tpu.memory_space<vmem_shared>>
      tpu.enqueue_dma source(%dma_start3A_21 : memref<632x128xf32, #tpu.memory_space<vmem_shared>>) target(%dma_start3A_19 : memref<632x128xf32, #tpu.memory_space<hbm>>) target_semaphore(%run_scoped3A : memref<!tpu.dma_semaphore, #tpu.memory_space<semaphore_mem>>)
      %dma_wait3A_22 = arith.constant 0 : i32
      %dma_wait3A_23 = tpu.memref_slice %arg6[%arg0, %mul3A_2, %dma_wait3A_22] : memref<2x10112x128xf32, #tpu.memory_space<hbm>> -> memref<1x632x128xf32, #tpu.memory_space<hbm>>
      %dma_wait3A_24 = tpu.memref_squeeze %dma_wait3A_23 : memref<1x632x128xf32, #tpu.memory_space<hbm>> -> memref<632x128xf32, #tpu.memory_space<hbm>>
      %dma_wait3A_25 = arith.constant 0 : i32
      %dma_wait3A_26 = tpu.memref_slice %arg7[%mul3A_2, %dma_wait3A_25] : memref<10112x128xf32, #tpu.memory_space<vmem_shared>> -> memref<632x128xf32, #tpu.memory_space<vmem_shared>>
      tpu.wait_dma2 semaphore(%run_scoped3A : memref<!tpu.dma_semaphore, #tpu.memory_space<semaphore_mem>>) src(%dma_wait3A_26 : memref<632x128xf32, #tpu.memory_space<vmem_shared>>) dst(%dma_wait3A_24 : memref<632x128xf32, #tpu.memory_space<hbm>>)
      tpu.yield
    }) : () -> ()
    return
  }
}

#map = affine_map<(d0, d1) -> (0, 0)>
#map1 = affine_map<(d0, d1) -> (0)>
#map2 = affine_map<(d0, d1) -> (0, 0, 0)>
module attributes {stable_mosaic.version = 14 : i64} {
  func.func @_pass_body(%arg0: i32, %arg1: i32, %arg2: memref<10000x128xf32, #tpu.memory_space<hbm>>, %arg3: memref<320000xi32, #tpu.memory_space<hbm>>, %arg4: memref<320000xi32, #tpu.memory_space<hbm>>, %arg5: memref<10112x128xf32, #tpu.memory_space<hbm>>, %arg6: memref<2x10112x128xf32, #tpu.memory_space<hbm>>, %arg7: memref<10112x128xf32, #tpu.memory_space<vmem_shared>>, %arg8: memref<128xi32, #tpu.memory_space<vmem>>, %arg9: memref<128xi32, #tpu.memory_space<vmem>>, %arg10: memref<128x128xf32, #tpu.memory_space<vmem>>, %arg11: memref<16xi32, #tpu.memory_space<vmem>>, %arg12: memref<16xi32, #tpu.memory_space<vmem>>, %arg13: memref<16x128xf32, #tpu.memory_space<vmem>>, %arg14: memref<!tpu.dma_semaphore, #tpu.memory_space<semaphore_mem>>) attributes {dimension_semantics = [#tpu.dimension_semantics<core_parallel>, #tpu.dimension_semantics<subcore_parallel>], iteration_bounds = array<i64: 2, 16>, scalar_prefetch = 0 : i64, scratch_operands = 8 : i64, tpu.core_type = #tpu.core_type<sc_vector_subcore>, window_params = [{transform_indices = #map}, {transform_indices = #map1}, {transform_indices = #map1}, {transform_indices = #map}, {transform_indices = #map2}]} {
    %mul3A = arith.constant 16 : i32
    %mul3A_0 = arith.muli %arg0, %mul3A : i32
    %add3A = arith.addi %mul3A_0, %arg1 : i32
    %mul3A_1 = arith.constant 632 : i32
    %mul3A_2 = arith.muli %arg1, %mul3A_1 : i32
    %mul3A_3 = arith.constant 10000 : i32
    %mul3A_4 = arith.muli %add3A, %mul3A_3 : i32
    "tpu.region"() ({
      %run_scoped3A = tpu.sem_alloc : memref<!tpu.dma_semaphore, #tpu.memory_space<semaphore_mem>>
      %dma_start3A_17 = arith.constant 0 : i32
      %dma_start3A_18 = tpu.memref_slice %arg7[%mul3A_2, %dma_start3A_17] : memref<10112x128xf32, #tpu.memory_space<vmem_shared>> -> memref<632x128xf32, #tpu.memory_space<vmem_shared>>
      %dma_start3A_19 = arith.constant 0 : i32
      %dma_start3A_20 = tpu.memref_slice %arg5[%mul3A_2, %dma_start3A_19] : memref<10112x128xf32, #tpu.memory_space<hbm>> -> memref<632x128xf32, #tpu.memory_space<hbm>>
      tpu.enqueue_dma source(%dma_start3A_20 : memref<632x128xf32, #tpu.memory_space<hbm>>) target(%dma_start3A_18 : memref<632x128xf32, #tpu.memory_space<vmem_shared>>) target_semaphore(%run_scoped3A : memref<!tpu.dma_semaphore, #tpu.memory_space<semaphore_mem>>)
      %dma_wait3A_21 = arith.constant 0 : i32
      %dma_wait3A_22 = tpu.memref_slice %arg7[%mul3A_2, %dma_wait3A_21] : memref<10112x128xf32, #tpu.memory_space<vmem_shared>> -> memref<632x128xf32, #tpu.memory_space<vmem_shared>>
      %dma_wait3A_23 = arith.constant 0 : i32
      %dma_wait3A_24 = tpu.memref_slice %arg5[%mul3A_2, %dma_wait3A_23] : memref<10112x128xf32, #tpu.memory_space<hbm>> -> memref<632x128xf32, #tpu.memory_space<hbm>>
      tpu.wait_dma2 semaphore(%run_scoped3A : memref<!tpu.dma_semaphore, #tpu.memory_space<semaphore_mem>>) src(%dma_wait3A_24 : memref<632x128xf32, #tpu.memory_space<hbm>>) dst(%dma_wait3A_22 : memref<632x128xf32, #tpu.memory_space<vmem_shared>>)
      tpu.yield
    }) : () -> ()
    %barrier3A = arith.constant 0 : index
    tpu.barrier barrier_id(%barrier3A)
    %scan3A = arith.constant 0 : i32
    %scan3A_5 = arith.constant 0 : i32
    %scan3A_6 = arith.constant 78 : i32
    %scan3A_7 = arith.addi %scan3A_5, %scan3A_6 : i32
    %scan3A_8 = arith.constant 1 : i32
    scf.for %scan3A_17 = %scan3A_5 to %scan3A_7 step %scan3A_8  : i32 {
      %mul3A_18 = arith.constant 128 : i32
      %mul3A_19 = arith.muli %scan3A_17, %mul3A_18 : i32
      %add3A_20 = arith.addi %mul3A_4, %mul3A_19 : i32
      "tpu.region"() ({
        %run_scoped3A = tpu.sem_alloc : memref<!tpu.dma_semaphore, #tpu.memory_space<semaphore_mem>>
        %dma_start3A_27 = tpu.memref_slice %arg3[%add3A_20] : memref<320000xi32, #tpu.memory_space<hbm>> -> memref<128xi32, #tpu.memory_space<hbm>>
        %dma_start3A_28 = tpu.memref_slice %arg3[%add3A_20] : memref<320000xi32, #tpu.memory_space<hbm>> -> memref<128xi32, #tpu.memory_space<hbm>>
        tpu.enqueue_dma source(%dma_start3A_28 : memref<128xi32, #tpu.memory_space<hbm>>) target(%arg8 : memref<128xi32, #tpu.memory_space<vmem>>) target_semaphore(%run_scoped3A : memref<!tpu.dma_semaphore, #tpu.memory_space<semaphore_mem>>)
        %dma_wait3A_29 = tpu.memref_slice %arg3[%add3A_20] : memref<320000xi32, #tpu.memory_space<hbm>> -> memref<128xi32, #tpu.memory_space<hbm>>
        %dma_wait3A_30 = tpu.memref_slice %arg3[%add3A_20] : memref<320000xi32, #tpu.memory_space<hbm>> -> memref<128xi32, #tpu.memory_space<hbm>>
        tpu.wait_dma2 semaphore(%run_scoped3A : memref<!tpu.dma_semaphore, #tpu.memory_space<semaphore_mem>>) src(%dma_wait3A_30 : memref<128xi32, #tpu.memory_space<hbm>>) dst(%arg8 : memref<128xi32, #tpu.memory_space<vmem>>)
        tpu.yield
      }) : () -> ()
      "tpu.region"() ({
        %run_scoped3A = tpu.sem_alloc : memref<!tpu.dma_semaphore, #tpu.memory_space<semaphore_mem>>
        %dma_start3A_27 = tpu.memref_slice %arg4[%add3A_20] : memref<320000xi32, #tpu.memory_space<hbm>> -> memref<128xi32, #tpu.memory_space<hbm>>
        %dma_start3A_28 = tpu.memref_slice %arg4[%add3A_20] : memref<320000xi32, #tpu.memory_space<hbm>> -> memref<128xi32, #tpu.memory_space<hbm>>
        tpu.enqueue_dma source(%dma_start3A_28 : memref<128xi32, #tpu.memory_space<hbm>>) target(%arg9 : memref<128xi32, #tpu.memory_space<vmem>>) target_semaphore(%run_scoped3A : memref<!tpu.dma_semaphore, #tpu.memory_space<semaphore_mem>>)
        %dma_wait3A_29 = tpu.memref_slice %arg4[%add3A_20] : memref<320000xi32, #tpu.memory_space<hbm>> -> memref<128xi32, #tpu.memory_space<hbm>>
        %dma_wait3A_30 = tpu.memref_slice %arg4[%add3A_20] : memref<320000xi32, #tpu.memory_space<hbm>> -> memref<128xi32, #tpu.memory_space<hbm>>
        tpu.wait_dma2 semaphore(%run_scoped3A : memref<!tpu.dma_semaphore, #tpu.memory_space<semaphore_mem>>) src(%dma_wait3A_30 : memref<128xi32, #tpu.memory_space<hbm>>) dst(%arg9 : memref<128xi32, #tpu.memory_space<vmem>>)
        tpu.yield
      }) : () -> ()
      %dma_start3A_21 = arith.constant 0 : i32
      %dma_start3A_22 = arith.constant 0 : i32
      %dma_start3A_23 = tpu.memref_slice %arg2[%dma_start3A_21, %dma_start3A_22] : memref<10000x128xf32, #tpu.memory_space<hbm>> -> memref<10000x128xf32, #tpu.memory_space<hbm>>
      tpu.enqueue_indirect_dma source(%dma_start3A_23 : memref<10000x128xf32, #tpu.memory_space<hbm>>) target(%arg10 : memref<128x128xf32, #tpu.memory_space<vmem>>) offsets(%arg8 : memref<128xi32, #tpu.memory_space<vmem>>) semaphore(%arg14 : memref<!tpu.dma_semaphore, #tpu.memory_space<semaphore_mem>>)
      %dma_wait3A_24 = arith.constant 0 : i32
      %dma_wait3A_25 = arith.constant 0 : i32
      %dma_wait3A_26 = tpu.memref_slice %arg2[%dma_wait3A_24, %dma_wait3A_25] : memref<10000x128xf32, #tpu.memory_space<hbm>> -> memref<10000x128xf32, #tpu.memory_space<hbm>>
      tpu.wait_indirect_dma semaphore(%arg14 : memref<!tpu.dma_semaphore, #tpu.memory_space<semaphore_mem>>) src(%dma_wait3A_26 : memref<10000x128xf32, #tpu.memory_space<hbm>>) dst(%arg10 : memref<128x128xf32, #tpu.memory_space<vmem>>)
      "tpu.region"() ({
        %run_scoped3A = tpu.sem_alloc : memref<!tpu.dma_semaphore, #tpu.memory_space<semaphore_mem>>
        %dma_start3A_27 = arith.constant 0 : i32
        %dma_start3A_28 = arith.constant 0 : i32
        %dma_start3A_29 = tpu.memref_slice %arg7[%dma_start3A_27, %dma_start3A_28] : memref<10112x128xf32, #tpu.memory_space<vmem_shared>> -> memref<10112x128xf32, #tpu.memory_space<vmem_shared>>
        tpu.enqueue_indirect_dma source(%arg10 : memref<128x128xf32, #tpu.memory_space<vmem>>) target(%dma_start3A_29 : memref<10112x128xf32, #tpu.memory_space<vmem_shared>>) offsets(%arg9 : memref<128xi32, #tpu.memory_space<vmem>>) semaphore(%run_scoped3A : memref<!tpu.dma_semaphore, #tpu.memory_space<semaphore_mem>>) {add = true}
        %dma_wait3A_30 = arith.constant 0 : i32
        %dma_wait3A_31 = arith.constant 0 : i32
        %dma_wait3A_32 = tpu.memref_slice %arg7[%dma_wait3A_30, %dma_wait3A_31] : memref<10112x128xf32, #tpu.memory_space<vmem_shared>> -> memref<10112x128xf32, #tpu.memory_space<vmem_shared>>
        tpu.wait_indirect_dma semaphore(%run_scoped3A : memref<!tpu.dma_semaphore, #tpu.memory_space<semaphore_mem>>) src(%arg10 : memref<128x128xf32, #tpu.memory_space<vmem>>) dst(%dma_wait3A_32 : memref<10112x128xf32, #tpu.memory_space<vmem_shared>>)
        tpu.yield
      }) : () -> ()
    }
    %scan3A_9 = arith.constant 78 : i32
    %add3A_10 = arith.constant 9984 : i32
    %add3A_11 = arith.addi %mul3A_4, %add3A_10 : i32
    "tpu.region"() ({
      %run_scoped3A = tpu.sem_alloc : memref<!tpu.dma_semaphore, #tpu.memory_space<semaphore_mem>>
      %dma_start3A_17 = tpu.memref_slice %arg3[%add3A_11] : memref<320000xi32, #tpu.memory_space<hbm>> -> memref<16xi32, #tpu.memory_space<hbm>>
      %dma_start3A_18 = tpu.memref_slice %arg3[%add3A_11] : memref<320000xi32, #tpu.memory_space<hbm>> -> memref<16xi32, #tpu.memory_space<hbm>>
      tpu.enqueue_dma source(%dma_start3A_18 : memref<16xi32, #tpu.memory_space<hbm>>) target(%arg11 : memref<16xi32, #tpu.memory_space<vmem>>) target_semaphore(%run_scoped3A : memref<!tpu.dma_semaphore, #tpu.memory_space<semaphore_mem>>)
      %dma_wait3A_19 = tpu.memref_slice %arg3[%add3A_11] : memref<320000xi32, #tpu.memory_space<hbm>> -> memref<16xi32, #tpu.memory_space<hbm>>
      %dma_wait3A_20 = tpu.memref_slice %arg3[%add3A_11] : memref<320000xi32, #tpu.memory_space<hbm>> -> memref<16xi32, #tpu.memory_space<hbm>>
      tpu.wait_dma2 semaphore(%run_scoped3A : memref<!tpu.dma_semaphore, #tpu.memory_space<semaphore_mem>>) src(%dma_wait3A_20 : memref<16xi32, #tpu.memory_space<hbm>>) dst(%arg11 : memref<16xi32, #tpu.memory_space<vmem>>)
      tpu.yield
    }) : () -> ()
    "tpu.region"() ({
      %run_scoped3A = tpu.sem_alloc : memref<!tpu.dma_semaphore, #tpu.memory_space<semaphore_mem>>
      %dma_start3A_17 = tpu.memref_slice %arg4[%add3A_11] : memref<320000xi32, #tpu.memory_space<hbm>> -> memref<16xi32, #tpu.memory_space<hbm>>
      %dma_start3A_18 = tpu.memref_slice %arg4[%add3A_11] : memref<320000xi32, #tpu.memory_space<hbm>> -> memref<16xi32, #tpu.memory_space<hbm>>
      tpu.enqueue_dma source(%dma_start3A_18 : memref<16xi32, #tpu.memory_space<hbm>>) target(%arg12 : memref<16xi32, #tpu.memory_space<vmem>>) target_semaphore(%run_scoped3A : memref<!tpu.dma_semaphore, #tpu.memory_space<semaphore_mem>>)
      %dma_wait3A_19 = tpu.memref_slice %arg4[%add3A_11] : memref<320000xi32, #tpu.memory_space<hbm>> -> memref<16xi32, #tpu.memory_space<hbm>>
      %dma_wait3A_20 = tpu.memref_slice %arg4[%add3A_11] : memref<320000xi32, #tpu.memory_space<hbm>> -> memref<16xi32, #tpu.memory_space<hbm>>
      tpu.wait_dma2 semaphore(%run_scoped3A : memref<!tpu.dma_semaphore, #tpu.memory_space<semaphore_mem>>) src(%dma_wait3A_20 : memref<16xi32, #tpu.memory_space<hbm>>) dst(%arg12 : memref<16xi32, #tpu.memory_space<vmem>>)
      tpu.yield
    }) : () -> ()
    %dma_start3A = arith.constant 0 : i32
    %dma_start3A_12 = arith.constant 0 : i32
    %dma_start3A_13 = tpu.memref_slice %arg2[%dma_start3A, %dma_start3A_12] : memref<10000x128xf32, #tpu.memory_space<hbm>> -> memref<10000x128xf32, #tpu.memory_space<hbm>>
    tpu.enqueue_indirect_dma source(%dma_start3A_13 : memref<10000x128xf32, #tpu.memory_space<hbm>>) target(%arg13 : memref<16x128xf32, #tpu.memory_space<vmem>>) offsets(%arg11 : memref<16xi32, #tpu.memory_space<vmem>>) semaphore(%arg14 : memref<!tpu.dma_semaphore, #tpu.memory_space<semaphore_mem>>)
    %dma_wait3A = arith.constant 0 : i32
    %dma_wait3A_14 = arith.constant 0 : i32
    %dma_wait3A_15 = tpu.memref_slice %arg2[%dma_wait3A, %dma_wait3A_14] : memref<10000x128xf32, #tpu.memory_space<hbm>> -> memref<10000x128xf32, #tpu.memory_space<hbm>>
    tpu.wait_indirect_dma semaphore(%arg14 : memref<!tpu.dma_semaphore, #tpu.memory_space<semaphore_mem>>) src(%dma_wait3A_15 : memref<10000x128xf32, #tpu.memory_space<hbm>>) dst(%arg13 : memref<16x128xf32, #tpu.memory_space<vmem>>)
    "tpu.region"() ({
      %run_scoped3A = tpu.sem_alloc : memref<!tpu.dma_semaphore, #tpu.memory_space<semaphore_mem>>
      %dma_start3A_17 = arith.constant 0 : i32
      %dma_start3A_18 = arith.constant 0 : i32
      %dma_start3A_19 = tpu.memref_slice %arg7[%dma_start3A_17, %dma_start3A_18] : memref<10112x128xf32, #tpu.memory_space<vmem_shared>> -> memref<10112x128xf32, #tpu.memory_space<vmem_shared>>
      tpu.enqueue_indirect_dma source(%arg13 : memref<16x128xf32, #tpu.memory_space<vmem>>) target(%dma_start3A_19 : memref<10112x128xf32, #tpu.memory_space<vmem_shared>>) offsets(%arg12 : memref<16xi32, #tpu.memory_space<vmem>>) semaphore(%run_scoped3A : memref<!tpu.dma_semaphore, #tpu.memory_space<semaphore_mem>>) {add = true}
      %dma_wait3A_20 = arith.constant 0 : i32
      %dma_wait3A_21 = arith.constant 0 : i32
      %dma_wait3A_22 = tpu.memref_slice %arg7[%dma_wait3A_20, %dma_wait3A_21] : memref<10112x128xf32, #tpu.memory_space<vmem_shared>> -> memref<10112x128xf32, #tpu.memory_space<vmem_shared>>
      tpu.wait_indirect_dma semaphore(%run_scoped3A : memref<!tpu.dma_semaphore, #tpu.memory_space<semaphore_mem>>) src(%arg13 : memref<16x128xf32, #tpu.memory_space<vmem>>) dst(%dma_wait3A_22 : memref<10112x128xf32, #tpu.memory_space<vmem_shared>>)
      tpu.yield
    }) : () -> ()
    %barrier3A_16 = arith.constant 0 : index
    tpu.barrier barrier_id(%barrier3A_16)
    "tpu.region"() ({
      %run_scoped3A = tpu.sem_alloc : memref<!tpu.dma_semaphore, #tpu.memory_space<semaphore_mem>>
      %dma_start3A_17 = arith.constant 0 : i32
      %dma_start3A_18 = tpu.memref_slice %arg6[%arg0, %mul3A_2, %dma_start3A_17] : memref<2x10112x128xf32, #tpu.memory_space<hbm>> -> memref<1x632x128xf32, #tpu.memory_space<hbm>>
      %dma_start3A_19 = tpu.memref_squeeze %dma_start3A_18 : memref<1x632x128xf32, #tpu.memory_space<hbm>> -> memref<632x128xf32, #tpu.memory_space<hbm>>
      %dma_start3A_20 = arith.constant 0 : i32
      %dma_start3A_21 = tpu.memref_slice %arg7[%mul3A_2, %dma_start3A_20] : memref<10112x128xf32, #tpu.memory_space<vmem_shared>> -> memref<632x128xf32, #tpu.memory_space<vmem_shared>>
      tpu.enqueue_dma source(%dma_start3A_21 : memref<632x128xf32, #tpu.memory_space<vmem_shared>>) target(%dma_start3A_19 : memref<632x128xf32, #tpu.memory_space<hbm>>) target_semaphore(%run_scoped3A : memref<!tpu.dma_semaphore, #tpu.memory_space<semaphore_mem>>)
      %dma_wait3A_22 = arith.constant 0 : i32
      %dma_wait3A_23 = tpu.memref_slice %arg6[%arg0, %mul3A_2, %dma_wait3A_22] : memref<2x10112x128xf32, #tpu.memory_space<hbm>> -> memref<1x632x128xf32, #tpu.memory_space<hbm>>
      %dma_wait3A_24 = tpu.memref_squeeze %dma_wait3A_23 : memref<1x632x128xf32, #tpu.memory_space<hbm>> -> memref<632x128xf32, #tpu.memory_space<hbm>>
      %dma_wait3A_25 = arith.constant 0 : i32
      %dma_wait3A_26 = tpu.memref_slice %arg7[%mul3A_2, %dma_wait3A_25] : memref<10112x128xf32, #tpu.memory_space<vmem_shared>> -> memref<632x128xf32, #tpu.memory_space<vmem_shared>>
      tpu.wait_dma2 semaphore(%run_scoped3A : memref<!tpu.dma_semaphore, #tpu.memory_space<semaphore_mem>>) src(%dma_wait3A_26 : memref<632x128xf32, #tpu.memory_space<vmem_shared>>) dst(%dma_wait3A_24 : memref<632x128xf32, #tpu.memory_space<hbm>>)
      tpu.yield
    }) : () -> ()
    return
  }
}

module attributes {stable_mosaic.version = 14 : i64} {
  func.func @_prep_body(%arg0: i32, %arg1: memref<2x2000x128xf32, #tpu.memory_space<vmem>>, %arg2: memref<2000x128xf32, #tpu.memory_space<vmem>>, %arg3: memref<2000x128xf32, #tpu.memory_space<vmem>>) attributes {dimension_semantics = [#tpu.dimension_semantics<arbitrary>], iteration_bounds = array<i64: 5>, scalar_prefetch = 0 : i64, scratch_operands = 0 : i64, tpu.core_type = #tpu.core_type<tc>, window_params = [{transform_indices = @transform_0, window_bounds = array<i64: 2, 2000, 128>}, {transform_indices = @transform_1, window_bounds = array<i64: 2000, 128>}, {transform_indices = @transform_2, window_bounds = array<i64: 2000, 128>}]} {
    %get3A = arith.constant 0 : index
    %get3A_0 = arith.constant 0 : index
    %get3A_1 = vector.load %arg2[%get3A, %get3A_0] : memref<2000x128xf32, #tpu.memory_space<vmem>>, vector<2000x128xf32>
    %get3A_2 = arith.constant 0 : index
    %get3A_3 = arith.constant 0 : index
    %get3A_4 = arith.constant 0 : index
    %get3A_5 = vector.load %arg1[%get3A_2, %get3A_3, %get3A_4] : memref<2x2000x128xf32, #tpu.memory_space<vmem>>, vector<1x2000x1xf32>
    %get3A_6 = vector.shape_cast %get3A_5 : vector<1x2000x1xf32> to vector<2000x1xf32>
    %get3A_7 = arith.constant 1 : index
    %get3A_8 = arith.constant 0 : index
    %get3A_9 = arith.constant 0 : index
    %get3A_10 = vector.load %arg1[%get3A_7, %get3A_8, %get3A_9] : memref<2x2000x128xf32, #tpu.memory_space<vmem>>, vector<1x2000x1xf32>
    %get3A_11 = vector.shape_cast %get3A_10 : vector<1x2000x1xf32> to vector<2000x1xf32>
    %add3A = arith.addf %get3A_6, %get3A_11 : vector<2000x1xf32>
    %add3A_12 = arith.constant 1.000000e+00 : f32
    %add3A_13 = vector.broadcast %add3A_12 : f32 to vector<2000x1xf32>
    %add3A_14 = arith.addf %add3A, %add3A_13 : vector<2000x1xf32>
    %rsqrt3A = math.rsqrt %add3A_14 : vector<2000x1xf32>
    %mul3A = vector.broadcast %rsqrt3A : vector<2000x1xf32> to vector<2000x128xf32>
    %mul3A_15 = arith.mulf %get3A_1, %mul3A : vector<2000x128xf32>
    %swap3A = arith.constant 0 : index
    %swap3A_16 = arith.constant 0 : index
    %swap3A_17 = vector.load %arg3[%swap3A, %swap3A_16] : memref<2000x128xf32, #tpu.memory_space<vmem>>, vector<2000x128xf32>
    tpu.vector_store %arg3[%swap3A, %swap3A_16], %mul3A_15 {strides = array<i32>} : memref<2000x128xf32, #tpu.memory_space<vmem>>, vector<2000x128xf32>,
    return
  }
  func.func @transform_0(%arg0: i32) -> (i32, i32, i32) {
    %c0_i32 = arith.constant 0 : i32
    %c0_i32_0 = arith.constant 0 : i32
    %c0_i32_1 = arith.constant 0 : i32
    return %c0_i32, %arg0, %c0_i32_0 : i32, i32, i32
  }
  func.func @transform_1(%arg0: i32) -> (i32, i32) {
    %c0_i32 = arith.constant 0 : i32
    %c0_i32_0 = arith.constant 0 : i32
    return %arg0, %c0_i32 : i32, i32
  }
  func.func @transform_2(%arg0: i32) -> (i32, i32) {
    %c0_i32 = arith.constant 0 : i32
    %c0_i32_0 = arith.constant 0 : i32
    return %arg0, %c0_i32 : i32, i32
  }
}

module attributes {stable_mosaic.version = 14 : i64} {
  func.func @_mid_body(%arg0: i32, %arg1: memref<2x2000x128xf32, #tpu.memory_space<vmem>>, %arg2: memref<2000x128xf32, #tpu.memory_space<vmem>>, %arg3: memref<2x2000x128xf32, #tpu.memory_space<vmem>>, %arg4: memref<128x256xf32, #tpu.memory_space<vmem>>, %arg5: memref<1x256xf32, #tpu.memory_space<vmem>>, %arg6: memref<256x128xf32, #tpu.memory_space<vmem>>, %arg7: memref<2000x128xf32, #tpu.memory_space<vmem>>) attributes {dimension_semantics = [#tpu.dimension_semantics<arbitrary>], iteration_bounds = array<i64: 5>, scalar_prefetch = 0 : i64, scratch_operands = 0 : i64, tpu.core_type = #tpu.core_type<tc>, window_params = [{transform_indices = @transform_0, window_bounds = array<i64: 2, 2000, 128>}, {transform_indices = @transform_1, window_bounds = array<i64: 2000, 128>}, {transform_indices = @transform_2, window_bounds = array<i64: 2, 2000, 128>}, {pipeline_mode = #tpu.pipeline_mode<synchronous>, transform_indices = @transform_3, window_bounds = array<i64: 128, 256>}, {pipeline_mode = #tpu.pipeline_mode<synchronous>, transform_indices = @transform_4, window_bounds = array<i64: 1, 256>}, {pipeline_mode = #tpu.pipeline_mode<synchronous>, transform_indices = @transform_5, window_bounds = array<i64: 256, 128>}, {transform_indices = @transform_6, window_bounds = array<i64: 2000, 128>}]} {
    %get3A = arith.constant 0 : index
    %get3A_0 = arith.constant 0 : index
    %get3A_1 = arith.constant 0 : index
    %get3A_2 = vector.load %arg3[%get3A, %get3A_0, %get3A_1] : memref<2x2000x128xf32, #tpu.memory_space<vmem>>, vector<1x2000x1xf32>
    %get3A_3 = vector.shape_cast %get3A_2 : vector<1x2000x1xf32> to vector<2000x1xf32>
    %get3A_4 = arith.constant 1 : index
    %get3A_5 = arith.constant 0 : index
    %get3A_6 = arith.constant 0 : index
    %get3A_7 = vector.load %arg3[%get3A_4, %get3A_5, %get3A_6] : memref<2x2000x128xf32, #tpu.memory_space<vmem>>, vector<1x2000x1xf32>
    %get3A_8 = vector.shape_cast %get3A_7 : vector<1x2000x1xf32> to vector<2000x1xf32>
    %add3A = arith.addf %get3A_3, %get3A_8 : vector<2000x1xf32>
    %add3A_9 = arith.constant 1.000000e+00 : f32
    %add3A_10 = vector.broadcast %add3A_9 : f32 to vector<2000x1xf32>
    %add3A_11 = arith.addf %add3A, %add3A_10 : vector<2000x1xf32>
    %rsqrt3A = math.rsqrt %add3A_11 : vector<2000x1xf32>
    %get3A_12 = arith.constant 0 : index
    %get3A_13 = arith.constant 0 : index
    %get3A_14 = arith.constant 0 : index
    %get3A_15 = vector.load %arg1[%get3A_12, %get3A_13, %get3A_14] : memref<2x2000x128xf32, #tpu.memory_space<vmem>>, vector<1x2000x128xf32>
    %get3A_16 = vector.shape_cast %get3A_15 : vector<1x2000x128xf32> to vector<2000x128xf32>
    %get3A_17 = arith.constant 1 : index
    %get3A_18 = arith.constant 0 : index
    %get3A_19 = arith.constant 0 : index
    %get3A_20 = vector.load %arg1[%get3A_17, %get3A_18, %get3A_19] : memref<2x2000x128xf32, #tpu.memory_space<vmem>>, vector<1x2000x128xf32>
    %get3A_21 = vector.shape_cast %get3A_20 : vector<1x2000x128xf32> to vector<2000x128xf32>
    %add3A_22 = arith.addf %get3A_16, %get3A_21 : vector<2000x128xf32>
    %get3A_23 = arith.constant 0 : index
    %get3A_24 = arith.constant 0 : index
    %get3A_25 = vector.load %arg2[%get3A_23, %get3A_24] : memref<2000x128xf32, #tpu.memory_space<vmem>>, vector<2000x128xf32>
    %add3A_26 = arith.addf %add3A_22, %get3A_25 : vector<2000x128xf32>
    %mul3A = vector.broadcast %rsqrt3A : vector<2000x1xf32> to vector<2000x128xf32>
    %mul3A_27 = arith.mulf %add3A_26, %mul3A : vector<2000x128xf32>
    %get3A_28 = arith.constant 0 : index
    %get3A_29 = arith.constant 0 : index
    %get3A_30 = vector.load %arg4[%get3A_28, %get3A_29] : memref<128x256xf32, #tpu.memory_space<vmem>>, vector<128x256xf32>
    %dot_general3A = arith.constant dense<0.000000e+00> : vector<2000x256xf32>
    %dot_general3A_31 = tpu.matmul %mul3A_27, %get3A_30, %dot_general3A {dimension_numbers = #tpu.dot_dimension_numbers<[1], [0], [0], [1], [0, 0, 1, 1], [], []>, transpose_lhs_hint = false} : vector<2000x128xf32>, vector<128x256xf32>, vector<2000x256xf32> -> vector<2000x256xf32>
    %get3A_32 = arith.constant 0 : index
    %get3A_33 = arith.constant 0 : index
    %get3A_34 = vector.load %arg5[%get3A_32, %get3A_33] : memref<1x256xf32, #tpu.memory_space<vmem>>, vector<1x256xf32>
    %add3A_35 = vector.broadcast %get3A_34 : vector<1x256xf32> to vector<2000x256xf32>
    %add3A_36 = arith.addf %dot_general3A_31, %add3A_35 : vector<2000x256xf32>
    %max3A = arith.constant 0.000000e+00 : f32
    %max3A_37 = vector.broadcast %max3A : f32 to vector<2000x256xf32>
    %max3A_38 = arith.maximumf %add3A_36, %max3A_37 : vector<2000x256xf32>
    %get3A_39 = arith.constant 0 : index
    %get3A_40 = arith.constant 0 : index
    %get3A_41 = vector.load %arg6[%get3A_39, %get3A_40] : memref<256x128xf32, #tpu.memory_space<vmem>>, vector<256x128xf32>
    %dot_general3A_42 = arith.constant dense<0.000000e+00> : vector<2000x128xf32>
    %dot_general3A_43 = tpu.matmul %max3A_38, %get3A_41, %dot_general3A_42 {dimension_numbers = #tpu.dot_dimension_numbers<[1], [0], [0], [1], [0, 0, 1, 1], [], []>, transpose_lhs_hint = false} : vector<2000x256xf32>, vector<256x128xf32>, vector<2000x128xf32> -> vector<2000x128xf32>
    %mul3A_44 = vector.broadcast %rsqrt3A : vector<2000x1xf32> to vector<2000x128xf32>
    %mul3A_45 = arith.mulf %dot_general3A_43, %mul3A_44 : vector<2000x128xf32>
    %swap3A = arith.constant 0 : index
    %swap3A_46 = arith.constant 0 : index
    %swap3A_47 = vector.load %arg7[%swap3A, %swap3A_46] : memref<2000x128xf32, #tpu.memory_space<vmem>>, vector<2000x128xf32>
    tpu.vector_store %arg7[%swap3A, %swap3A_46], %mul3A_45 {strides = array<i32>} : memref<2000x128xf32, #tpu.memory_space<vmem>>, vector<2000x128xf32>,
    return
  }
  func.func @transform_0(%arg0: i32) -> (i32, i32, i32) {
    %c0_i32 = arith.constant 0 : i32
    %c0_i32_0 = arith.constant 0 : i32
    %c0_i32_1 = arith.constant 0 : i32
    return %c0_i32, %arg0, %c0_i32_0 : i32, i32, i32
  }
  func.func @transform_1(%arg0: i32) -> (i32, i32) {
    %c0_i32 = arith.constant 0 : i32
    %c0_i32_0 = arith.constant 0 : i32
    return %arg0, %c0_i32 : i32, i32
  }
  func.func @transform_2(%arg0: i32) -> (i32, i32, i32) {
    %c0_i32 = arith.constant 0 : i32
    %c0_i32_0 = arith.constant 0 : i32
    %c0_i32_1 = arith.constant 0 : i32
    return %c0_i32, %arg0, %c0_i32_0 : i32, i32, i32
  }
  func.func @transform_3(%arg0: i32) -> (i32, i32) {
    %c0_i32 = arith.constant 0 : i32
    %c0_i32_0 = arith.constant 0 : i32
    %c0_i32_1 = arith.constant 0 : i32
    return %c0_i32, %c0_i32_0 : i32, i32
  }
  func.func @transform_4(%arg0: i32) -> (i32, i32) {
    %c0_i32 = arith.constant 0 : i32
    %c0_i32_0 = arith.constant 0 : i32
    %c0_i32_1 = arith.constant 0 : i32
    return %c0_i32, %c0_i32_0 : i32, i32
  }
  func.func @transform_5(%arg0: i32) -> (i32, i32) {
    %c0_i32 = arith.constant 0 : i32
    %c0_i32_0 = arith.constant 0 : i32
    %c0_i32_1 = arith.constant 0 : i32
    return %c0_i32, %c0_i32_0 : i32, i32
  }
  func.func @transform_6(%arg0: i32) -> (i32, i32) {
    %c0_i32 = arith.constant 0 : i32
    %c0_i32_0 = arith.constant 0 : i32
    return %arg0, %c0_i32 : i32, i32
  }
}

module attributes {stable_mosaic.version = 14 : i64} {
  func.func @_out_body(%arg0: i32, %arg1: memref<2x2000x128xf32, #tpu.memory_space<vmem>>, %arg2: memref<2000x128xf32, #tpu.memory_space<vmem>>, %arg3: memref<2x2000x128xf32, #tpu.memory_space<vmem>>, %arg4: memref<1x128xf32, #tpu.memory_space<vmem>>, %arg5: memref<128x128xf32, #tpu.memory_space<vmem>>, %arg6: memref<1x128xf32, #tpu.memory_space<vmem>>, %arg7: memref<2000x128xf32, #tpu.memory_space<vmem>>) attributes {dimension_semantics = [#tpu.dimension_semantics<arbitrary>], iteration_bounds = array<i64: 5>, scalar_prefetch = 0 : i64, scratch_operands = 0 : i64, tpu.core_type = #tpu.core_type<tc>, window_params = [{transform_indices = @transform_0, window_bounds = array<i64: 2, 2000, 128>}, {transform_indices = @transform_1, window_bounds = array<i64: 2000, 128>}, {transform_indices = @transform_2, window_bounds = array<i64: 2, 2000, 128>}, {pipeline_mode = #tpu.pipeline_mode<synchronous>, transform_indices = @transform_3, window_bounds = array<i64: 1, 128>}, {pipeline_mode = #tpu.pipeline_mode<synchronous>, transform_indices = @transform_4, window_bounds = array<i64: 128, 128>}, {pipeline_mode = #tpu.pipeline_mode<synchronous>, transform_indices = @transform_5, window_bounds = array<i64: 1, 128>}, {transform_indices = @transform_6, window_bounds = array<i64: 2000, 128>}]} {
    %get3A = arith.constant 0 : index
    %get3A_0 = arith.constant 0 : index
    %get3A_1 = arith.constant 0 : index
    %get3A_2 = vector.load %arg3[%get3A, %get3A_0, %get3A_1] : memref<2x2000x128xf32, #tpu.memory_space<vmem>>, vector<1x2000x1xf32>
    %get3A_3 = vector.shape_cast %get3A_2 : vector<1x2000x1xf32> to vector<2000x1xf32>
    %get3A_4 = arith.constant 1 : index
    %get3A_5 = arith.constant 0 : index
    %get3A_6 = arith.constant 0 : index
    %get3A_7 = vector.load %arg3[%get3A_4, %get3A_5, %get3A_6] : memref<2x2000x128xf32, #tpu.memory_space<vmem>>, vector<1x2000x1xf32>
    %get3A_8 = vector.shape_cast %get3A_7 : vector<1x2000x1xf32> to vector<2000x1xf32>
    %add3A = arith.addf %get3A_3, %get3A_8 : vector<2000x1xf32>
    %add3A_9 = arith.constant 1.000000e+00 : f32
    %add3A_10 = vector.broadcast %add3A_9 : f32 to vector<2000x1xf32>
    %add3A_11 = arith.addf %add3A, %add3A_10 : vector<2000x1xf32>
    %rsqrt3A = math.rsqrt %add3A_11 : vector<2000x1xf32>
    %get3A_12 = arith.constant 0 : index
    %get3A_13 = arith.constant 0 : index
    %get3A_14 = arith.constant 0 : index
    %get3A_15 = vector.load %arg1[%get3A_12, %get3A_13, %get3A_14] : memref<2x2000x128xf32, #tpu.memory_space<vmem>>, vector<1x2000x128xf32>
    %get3A_16 = vector.shape_cast %get3A_15 : vector<1x2000x128xf32> to vector<2000x128xf32>
    %get3A_17 = arith.constant 1 : index
    %get3A_18 = arith.constant 0 : index
    %get3A_19 = arith.constant 0 : index
    %get3A_20 = vector.load %arg1[%get3A_17, %get3A_18, %get3A_19] : memref<2x2000x128xf32, #tpu.memory_space<vmem>>, vector<1x2000x128xf32>
    %get3A_21 = vector.shape_cast %get3A_20 : vector<1x2000x128xf32> to vector<2000x128xf32>
    %add3A_22 = arith.addf %get3A_16, %get3A_21 : vector<2000x128xf32>
    %get3A_23 = arith.constant 0 : index
    %get3A_24 = arith.constant 0 : index
    %get3A_25 = vector.load %arg2[%get3A_23, %get3A_24] : memref<2000x128xf32, #tpu.memory_space<vmem>>, vector<2000x128xf32>
    %add3A_26 = arith.addf %add3A_22, %get3A_25 : vector<2000x128xf32>
    %mul3A = vector.broadcast %rsqrt3A : vector<2000x1xf32> to vector<2000x128xf32>
    %mul3A_27 = arith.mulf %add3A_26, %mul3A : vector<2000x128xf32>
    %get3A_28 = arith.constant 0 : index
    %get3A_29 = arith.constant 0 : index
    %get3A_30 = vector.load %arg4[%get3A_28, %get3A_29] : memref<1x128xf32, #tpu.memory_space<vmem>>, vector<1x128xf32>
    %add3A_31 = vector.broadcast %get3A_30 : vector<1x128xf32> to vector<2000x128xf32>
    %add3A_32 = arith.addf %mul3A_27, %add3A_31 : vector<2000x128xf32>
    %max3A = arith.constant 0.000000e+00 : f32
    %max3A_33 = vector.broadcast %max3A : f32 to vector<2000x128xf32>
    %max3A_34 = arith.maximumf %add3A_32, %max3A_33 : vector<2000x128xf32>
    %get3A_35 = arith.constant 0 : index
    %get3A_36 = arith.constant 0 : index
    %get3A_37 = vector.load %arg5[%get3A_35, %get3A_36] : memref<128x128xf32, #tpu.memory_space<vmem>>, vector<128x128xf32>
    %dot_general3A = arith.constant dense<0.000000e+00> : vector<2000x128xf32>
    %dot_general3A_38 = tpu.matmul %max3A_34, %get3A_37, %dot_general3A {dimension_numbers = #tpu.dot_dimension_numbers<[1], [0], [0], [1], [0, 0, 1, 1], [], []>, transpose_lhs_hint = false} : vector<2000x128xf32>, vector<128x128xf32>, vector<2000x128xf32> -> vector<2000x128xf32>
    %get3A_39 = arith.constant 0 : index
    %get3A_40 = arith.constant 0 : index
    %get3A_41 = vector.load %arg6[%get3A_39, %get3A_40] : memref<1x128xf32, #tpu.memory_space<vmem>>, vector<1x128xf32>
    %add3A_42 = vector.broadcast %get3A_41 : vector<1x128xf32> to vector<2000x128xf32>
    %add3A_43 = arith.addf %dot_general3A_38, %add3A_42 : vector<2000x128xf32>
    %swap3A = arith.constant 0 : index
    %swap3A_44 = arith.constant 0 : index
    %swap3A_45 = vector.load %arg7[%swap3A, %swap3A_44] : memref<2000x128xf32, #tpu.memory_space<vmem>>, vector<2000x128xf32>
    tpu.vector_store %arg7[%swap3A, %swap3A_44], %add3A_43 {strides = array<i32>} : memref<2000x128xf32, #tpu.memory_space<vmem>>, vector<2000x128xf32>,
    return
  }
  func.func @transform_0(%arg0: i32) -> (i32, i32, i32) {
    %c0_i32 = arith.constant 0 : i32
    %c0_i32_0 = arith.constant 0 : i32
    %c0_i32_1 = arith.constant 0 : i32
    return %c0_i32, %arg0, %c0_i32_0 : i32, i32, i32
  }
  func.func @transform_1(%arg0: i32) -> (i32, i32) {
    %c0_i32 = arith.constant 0 : i32
    %c0_i32_0 = arith.constant 0 : i32
    return %arg0, %c0_i32 : i32, i32
  }
  func.func @transform_2(%arg0: i32) -> (i32, i32, i32) {
    %c0_i32 = arith.constant 0 : i32
    %c0_i32_0 = arith.constant 0 : i32
    %c0_i32_1 = arith.constant 0 : i32
    return %c0_i32, %arg0, %c0_i32_0 : i32, i32, i32
  }
  func.func @transform_3(%arg0: i32) -> (i32, i32) {
    %c0_i32 = arith.constant 0 : i32
    %c0_i32_0 = arith.constant 0 : i32
    %c0_i32_1 = arith.constant 0 : i32
    return %c0_i32, %c0_i32_0 : i32, i32
  }
  func.func @transform_4(%arg0: i32) -> (i32, i32) {
    %c0_i32 = arith.constant 0 : i32
    %c0_i32_0 = arith.constant 0 : i32
    %c0_i32_1 = arith.constant 0 : i32
    return %c0_i32, %c0_i32_0 : i32, i32
  }
  func.func @transform_5(%arg0: i32) -> (i32, i32) {
    %c0_i32 = arith.constant 0 : i32
    %c0_i32_0 = arith.constant 0 : i32
    %c0_i32_1 = arith.constant 0 : i32
    return %c0_i32, %c0_i32_0 : i32, i32
  }
  func.func @transform_6(%arg0: i32) -> (i32, i32) {
    %c0_i32 = arith.constant 0 : i32
    %c0_i32_0 = arith.constant 0 : i32
    return %arg0, %c0_i32 : i32, i32
  }
}

</mosaic_0001>

<sc_bundles>
// kernel: kernel.11.cloned.1.call-start
scs
__scs_entry_jumppad:
0x0: {  	(pc) =	sbr.rel $0x88, $3  }
0x1: {  	(tag) =	ssettag $0x0;
	lr =	simm.s32 $0x1  }
0x2: {  	[smem:$0x3F99] =	sst lr;
	_ =	strace $0xD0000000  }
0x3: {  	_ = 	snop  }
0x4: {  	_ = 	snop  }
0x5: {  	_ = 	snop  }
0x6: {  	_ = 	snop  }
0x7: {  	_ = 	snop  }
__scs_overlays_trampoline_lowered:
0x8: {  	[smem:$0x3FA8] =	sst s0  }
0x9: {  	[smem:$0x3FA9] =	sst s1  }
0xa: {  	[smem:$0x3FAA] =	sst s2  }
0xb: {  	[smem:$0x3FAB] =	sst s3  }
0xc: {  	[smem:$0x3FAC] =	sst s4  }
0xd: {  	[smem:$0x3FAD] =	sst s5  }
0xe: {  	[smem:$0x3FAE] =	sst s6  }
0xf: {  	[smem:$0x3FAF] =	sst s7  }
0x10: {  	[smem:$0x3FB0] =	sst s8  }
0x11: {  	[smem:$0x3FB1] =	sst s9;
	s0 =	simm.s32 @!p0 $0x0  }
0x12: {  	s1 =	sld [smem:$0x3F97];
	s0 =	simm.s32 @p0 $0x1  }
0x13: {  	[smem:$0x3FB2] =	sst s0;
	s0 =	simm.s32 @!p1 $0x0  }
0x14: {  	s2 =	sld [smem:$0x3F96];
	s0 =	simm.s32 @p1 $0x1  }
0x15: {  	[smem:$0x3FB3] =	sst s0;
	s0 =	simm.s32 @!p2 $0x0  }
0x16: {  	s3 =	sld [smem:$0x3FDB];
	s0 =	simm.s32 @p2 $0x1  }
0x17: {  	s4 =	simm.s32 $0x1BF5;
	[smem:$0x3FB5] =	sst s0  }
0x18: {  	s0 =	sld [smem:$0x3F98];
	_ =	swait.ge [sflag:s4], $0x0  }
0x19: {  	s7 =	sld [smem:$0x3F99]  }
0x1a: {  	s8 =	sadd.s32 $0xFFFFE003, lr  }
0x1b: {  	s9 =	sadd.s32 $0xFFFFFEF7, lr;
	s5 =	simm.s32 $0xFFFFFFFF;
	p2 =	slt.u32 s8, $0xFFFFF086  }
0x1c: {  	p1 =	slt.u32 s9, $0xF7A;
	s5 =	simm.s32 @!p2 $0x0  }
0x1d: {  	s5 =	simm.s32 @p1 $0x1;
	p0 =	seq.s32 s7, s2  }
0x1e: {  	s7 =	smul.u32 @!p0 $0xF7A, s2;
	p2 =	seq.s32 @!p0 s5, $0x0  }
0x1f: {  	s9 =	smul.u32 $0xF7A, s1;
	s8 =	simm.s32 @!p0 $0x1BF5;
	p2 =	por !p2, p0  }
0x20: {  	[sflag:s8] =	ssyncset.s32 @!p0 $0xFFFFF086;
	s6 =	sadd.s32 @!p0 s3, s7;
	s7 =	simm.s32 @!p0 $0x108  }
0x21: {  	s3 =	sadd.s32 s3, s9;
	s6 =	sadd.s32 @!p0 $0x88, s6;
	s7 =	simm.s32 @p2 $0x1082  }
0x22: {  	[simem:s7], [sflag:s8] =	dma.local @!p0 [hbm:s6], $0xF7A  }
0x23: {  	s9 =	sor.u32 $0xD0000000, s2;
	s6 =	simm.s32 $0x108;
	_ =	swait.ge @!p0 [sflag:s8], $0x0  }
0x24: {  	s3 =	sadd.s32 $0x88, s3;
	s6 =	simm.s32 @!p1 $0x1082;
	[sflag:s4] =	ssyncset.s32 $0xFFFFF086  }
0x25: {  	[simem:s6], [sflag:s4] =	dma.local [hbm:s3], $0xF7A  }
0x26: {  	[smem:$0x3F99] =	sst s1;
	(tag) =	ssettag s2;
	_ =	strace s9  }
0x27: {  	s1 =	sld [smem:$0x3FA9]  }
0x28: {  	s2 =	sld [smem:$0x3FAA]  }
0x29: {  	s4 =	sld [smem:$0x3FAC]  }
0x2a: {  	p0 =	seq.s32 s5, $0x0;
	s5 =	sld [smem:$0x3FAD]  }
0x2b: {  	s6 =	sld [smem:$0x3FAE]  }
0x2c: {  	s7 =	sld [smem:$0x3FAF]  }
0x2d: {  	s3 =	simm.s32 $0x108;
	s8 =	sld [smem:$0x3FB0]  }
0x2e: {  	s3 =	simm.s32 @!p0 $0x1082;
	s9 =	sld [smem:$0x3FB1]  }
0x2f: {  	lr =	sadd.s32 s0, s3;
	s0 =	sld [smem:$0x3FA8]  }
0x30: {  	s3 =	sld [smem:$0x3FAB]  }
0x31: {  	[smem:$0x3FB4] =	sst s10  }
0x32: {  	s10 =	sld [smem:$0x3FB2];
	_ =	sdelay $0x3  }
0x33: {  	p0 =	seq.s32 s10, $0x1;
	s10 =	sld [smem:$0x3FB4];
	_ =	sdelay $0x3  }
0x34: {  	[smem:$0x3FB4] =	sst s10  }
0x35: {  	s10 =	sld [smem:$0x3FB3];
	_ =	sdelay $0x3  }
0x36: {  	p1 =	seq.s32 s10, $0x1;
	s10 =	sld [smem:$0x3FB4];
	_ =	sdelay $0x3  }
0x37: {  	[smem:$0x3FB4] =	sst s10  }
0x38: {  	s10 =	sld [smem:$0x3FB5]  }
0x39: {  	_ = 	snop;
	(pc) =	sbr.ind lr, $3  }
0x3a: {  	_ = 	snop  }
0x3b: {  	_ = 	snop  }
0x3c: {  	p2 =	seq.s32 s10, $0x1;
	s10 =	sld [smem:$0x3FB4]  }
0x3d: {  	_ =	shalt  }
0x3e: {  	_ =	shalt  }
0x3f: {  	_ =	shalt  }
0x40: {  	_ =	shalt  }
0x41: {  	_ =	shalt  }
0x42: {  	_ =	shalt  }
0x43: {  	_ =	shalt  }
0x44: {  	_ =	shalt  }
0x45: {  	_ =	shalt  }
0x46: {  	_ =	shalt  }
0x47: {  	_ =	shalt  }
0x48: {  	_ =	shalt  }
0x49: {  	_ =	shalt  }
0x4a: {  	_ =	shalt  }
0x4b: {  	_ =	shalt  }
0x4c: {  	_ =	shalt  }
0x4d: {  	_ =	shalt  }
0x4e: {  	_ =	shalt  }
0x4f: {  	_ =	shalt  }
0x50: {  	_ =	shalt  }
0x51: {  	_ =	shalt  }
0x52: {  	_ =	shalt  }
0x53: {  	_ =	shalt  }
0x54: {  	_ =	shalt  }
0x55: {  	_ =	shalt  }
0x56: {  	_ =	shalt  }
0x57: {  	_ =	shalt  }
0x58: {  	_ =	shalt  }
0x59: {  	_ =	shalt  }
0x5a: {  	_ =	shalt  }
0x5b: {  	_ =	shalt  }
0x5c: {  	_ =	shalt  }
0x5d: {  	_ =	shalt  }
0x5e: {  	_ =	shalt  }
0x5f: {  	_ =	shalt  }
0x60: {  	_ =	shalt  }
0x61: {  	_ =	shalt  }
0x62: {  	_ =	shalt  }
0x63: {  	_ =	shalt  }
0x64: {  	_ =	shalt  }
0x65: {  	_ =	shalt  }
0x66: {  	_ =	shalt  }
0x67: {  	_ =	shalt  }
0x68: {  	_ =	shalt  }
0x69: {  	_ =	shalt  }
0x6a: {  	_ =	shalt  }
0x6b: {  	_ =	shalt  }
0x6c: {  	_ =	shalt  }
0x6d: {  	_ =	shalt  }
0x6e: {  	_ =	shalt  }
0x6f: {  	_ =	shalt  }
0x70: {  	_ =	shalt  }
0x71: {  	_ =	shalt  }
0x72: {  	_ =	shalt  }
0x73: {  	_ =	shalt  }
0x74: {  	_ =	shalt  }
0x75: {  	_ =	shalt  }
0x76: {  	_ =	shalt  }
0x77: {  	_ =	shalt  }
0x78: {  	_ =	shalt  }
0x79: {  	_ =	shalt  }
0x7a: {  	_ =	shalt  }
0x7b: {  	_ =	shalt  }
0x7c: {  	_ =	shalt  }
0x7d: {  	_ =	shalt  }
0x7e: {  	_ =	shalt  }
0x7f: {  	_ =	shalt  }
0x80: {  	_ =	shalt  }
0x81: {  	_ =	shalt  }
0x82: {  	_ =	shalt  }
0x83: {  	_ =	shalt  }
0x84: {  	_ =	shalt  }
0x85: {  	_ =	shalt  }
0x86: {  	_ =	shalt  }
0x87: {  	_ =	shalt  }
.Lfunc_end0:
.L_simem_size_0:
called_computation.1_lowered:
.L_overlay_start_0:
0x88: {  	s2 =	sld [smem:$0x3FD9]  }
0x89: {  	s3 =	sld [smem:$0x3FFE];
	_ =	sdelay $0x1  }
0x8a: {  	s1 =	srdreg.scid  }
0x8b: {  	s0 =	sand.u32 $0x1, s1  }
0x8c: {  	s16 =	sshll.u32 s0, $0xA;
	s2 =	sadd.s32 s3, s2  }
0x8d: {  	s2 =	sadd.s32 s2, s16  }
0x8e: {  	[smem:$0x3FC0] =	sst s2  }
0x8f: {  	_ = 	snop  }
0x90: {  	(tm) =	ssettm $0x1  }
0x91: {  	s17 =	sld [smem:$0x3FFB];
	_ =	sdelay $0x3  }
0x92: {  	_ =	strace s17  }
0x93: {  	s2 =	sld [smem:$0x3FFC];
	_ =	sdelay $0x3  }
0x94: {  	_ =	strace s2  }
0x95: {  	s2 =	sld [smem:$0x3FFD];
	_ =	sdelay $0x3  }
0x96: {  	_ =	strace s2  }
0x97: {  	_ =	strace $0x8FFFFFFF  }
0x98: {  	s18 =	sld [smem:$0x3FDB];
	_ =	sdelay $0x1  }
0x99: {  	s19 =	simm.s32 $_scs_section_size  }
0x9a: {  	s4 =	simm.s32 $_size__tile_overlayer_lowered;
	s5 =	simm.s32 $_tile_overlayer_lowered  }
0x9b: {  	s22 =	simm.s32 $0x1BFF;
	s21 =	sshll.u32 s5, $0x1;
	s2 =	sadd.s32 s19, s18  }
0x9c: {  	s6 =	simm.s32 $0x0;
	s20 =	sshll.u32 s4, $0x1;
	s4 =	sadd.s32 s21, s2  }
0x9d: {  	[timem:s6], [sflag:s22] =	dma.local [hbm:s4], s20  }
0x9e: {  	_ =	swait.ge [sflag:s22], s20  }
0x9f: {  	s3 =	ssub.s32 $0x0, s20;
	[sflag:s22] =	ssyncset.done $0x0  }
0xa0: {  	[sflag:s22] =	ssyncadd.s32 s3;
	_ =	sdelay $0x1  }
0xa1: {  	s23 =	simm.s32 $0x1B8B  }
0xa2: {  	_ =	swait.ge [sflag:s23], $0x1  }
0xa3: {  	[sflag:s23] =	ssyncset.done $0x0  }
0xa4: {  	s25 =	simm.s32 $0x1B8E;
	s24 =	sld [smem:$0x3FFE];
	[sflag:s23] =	ssyncadd.s32 $0xFFFFFFFF  }
0xa5: {  	s26 =	simm.s32 $execute0_lowered;
	[smem:$0x3FD2] =	sst s25  }
0xa6: {  	s4 =	sshll.u32 s26, $0x1;
	_ =	strace $0x80000049;
	[dreg:$0x1] =	wrdreg $0xFFFFFFFF  }
0xa7: {  	s28 =	simm.s32 $_size_execute0_lowered;
	s2 =	sadd.s32 s2, s4;
	[dreg:$0x0] =	wrdreg $0x0  }
0xa8: {  	s4 =	sshll.u32 s28, $0x1;
	[dreg:$0x2] =	wrdreg s2  }
0xa9: {  	[dreg:$0x3] =	wrdreg s4  }
0xaa: {  	[dreg:$0x4] =	wrdreg $0xC0  }
0xab: {  	_ =	task [dreg:s6], $0x5FFFF  }
0xac: {  	[dreg:$0x1] =	wrdreg $0xFFFFFFFF  }
0xad: {  	[dreg:$0x0] =	wrdreg $0x60  }
0xae: {  	[dreg:$0x2] =	wrdreg s24  }
0xaf: {  	[dreg:$0x3] =	wrdreg $0x0  }
0xb0: {  	[dreg:$0x4] =	wrdreg $0x9  }
0xb1: {  	_ =	task.clear_ibuf [dreg:s6], $0x5FFFF;
	_ =	strace $0x90000049  }
0xb2: {  	s29 =	simm.s32 $0x9;
	_ =	strace $0x8000004B  }
0xb3: {  	_ =	swait.ge [sflag:s29], $0x1  }
0xb4: {  	[sflag:s29] =	ssyncadd.s32 $0xFFFFFFFF  }
0xb5: {  	_ =	strace $0x9000004B  }
0xb6: {  	_ =	sfence  }
0xb7: {  	s30 =	sld [smem:$0x0];
	_ =	sdelay $0x2  }
0xb8: {  	s31 =	sshll.u32 s1, $0xD;
	s1 =	sshrl.u32 s1, $0x2  }
0xb9: {  	s3 =	sand.u32 $0x4000, s31;
	s1 =	sadd.s32 s1, s30  }
0xba: {  	s0 =	sor.u32 s3, s0;
	s1 =	sshll.u32 s1, $0x11  }
0xbb: {  	s0 =	sor.u32 s1, s0  }
0xbc: {  	s0 =	sadd.s32 $0x8F2B, s0  }
0xbd: {  	[sflag:s0] =	ssyncadd.remote.s32 $0x1  }
0xbe: {  	_ =	sfence.sel $0xFFFF  }
0xbf: {  	[dreg:$0x0] =	wrdreg $0xFFFFFFFF;
	(pc) =	sbr.abs _section_cstart, $3  }
0xc0: {  	[dreg:$0x1] =	wrdreg $0xFFFFFFFF  }
0xc1: {  	_ =	task.clear_ibuf [dreg:s6], $0x2FFFF;
	_ =	strace $0x9FFFFFFF  }
0xc2: {  	(tm) =	ssettm $0x7FFFFFFF  }
0xc3: {  	_ =	shalt  }
tec
execute0_lowered:
.L_overlay_start_1:
0x0: {  	(tag) =	ssettag $0x1  }
0x1: {  	s5 =	rddreg [dreg:$0x0]  }
0x2: {  	s2 =	rddreg [dreg:$0x1]  }
0x3: {  	s0 =	rddreg [dreg:$0x2];
	s1 =	stileid.u32  }
0x4: {  	s4 =	srdreg.scid;
	s3 =	simm.s32 $0x0;
	s16 =	simm.s32 $0x13C80  }
0x5: {  	s17 =	simm.s32 $0x80;
	s18 =	simm.s32 $0x13D00;
	s19 =	simm.s32 $0x1  }
0x6: {  	s20 =	simm.s32 $0x17D00;
	s21 =	simm.s32 $0x17D80;
	s6 =	smul.u32 $0x13C00, s1  }
0x7: {  	s7 =	sand.u32 $0x1, s4;
	[smem:$0x7FF] =	sst s3;
	s13 =	smul.u32 $0x4F000, s1  }
0x8: {  	s4 =	sadd.s32 $0x8D400, s5;
	s12 =	sadd.s32 $0x2800, s5;
	s15 =	smul.u32 $0x2710, s1  }
0x9: {  	s11 =	sadd.s32 $0xC600, s5;
	s29 =	sshll.u32 s1, $0x6;
	s8 =	smul.u32 $0x13C000, s7  }
0xa: {  	_ =	strace $0x8000004A;
	s23 =	sshll.u32 s7, $0x4;
	s10 =	ssub.s32 $0x2, s7  }
0xb: {  	s28 =	smul.u32 $0x27100, s7;
	s9 =	sshrl.u32 s6, $0x3;
	s24 =	sshrl.u32 s10, $0x1  }
0xc: {  	s26 =	sshrl.u32 s13, $0x2;
	s6 =	sadd.s32 s6, s8;
	s22 =	sadd.s32 s9, s5  }
0xd: {  	s9 =	sor.u32 s1, s23;
	s10 =	ssub.s32 s10, s24;
	s13 =	sadd.s32 s26, s2  }
0xe: {  	s15 =	sadd.s32 s15, s28;
	s23 =	simm.s32 $0x17E00;
	s24 =	simm.s32 $0x0  }
0xf: {  	s6 =	sshrl.u32 s6, $0x3;
	s25 =	smul.u32 $0x2710, s9;
	s31 =	sshrl.u32 s15, $0x3  }
0x10: {  	s10 =	smax.u32 s10, $0x1;
	s13 =	sshrl.u32 s13, $0x3;
	s15 =	simm.s32 $0x13C00  }
0x11: {  	s14 =	sadd.s32 s6, s5;
	s5 =	sadd.s32 $0x16400, s22;
	s6 =	sshrl.u32 s25, $0x3  }
0x12: {  	s22 =	simm.s32 $0x10;
	s9 =	sadd.s32 $0xB4600, s14;
	s30 =	sadd.s32 $0x4E0, s6  }
0x13: {  	s14 =	simm.s32 $0x2;
	s6 =	sor.u32 $0x1C02, s29;
	s7 =	sadd.s32 s12, s30  }
0x14: {  	s8 =	sadd.s32 s11, s30;
	s11 =	sadd.s32 s31, s11;
	s12 =	sadd.s32 s31, s12  }
.LBB2_1:
0x15: {  	[spmem:s13], [sflag:s6] =	dma.local [hbm:s5], $0x2780  }
0x16: {  	_ =	swait.ge [sflag:s14], $0x2780  }
0x17: {  	[sflag:s14] =	ssyncset.done $0x0  }
0x18: {  	[sflag:s14] =	ssyncadd.s32 $0xFFFFD880  }
0x19: {  	s25 =	sadd.s32 $0x0, s12;
	[bflag:$0x0] =	sbarrier.arrive $0xFFFF  }
0x1a: {  	[tilespmem:s15], [sflag:$0x2] =	stream.linear.gather [hbm4b:s25+s3], $0x80, $0x38;
	[tilespmem:$0x18600] =	vst v63  }
0x1b: {  	_ =	swait.ge [sflag:s14], $0x80  }
0x1c: {  	[sflag:s14] =	ssyncset.done $0x0  }
0x1d: {  	s31 =	sadd.s32 $0x0, s11;
	[sflag:s14] =	ssyncadd.s32 $0xFFFFFF80  }
0x1e: {  	[tilespmem:s16], [sflag:$0x2] =	stream.linear.gather [hbm4b:s31+s3], $0x80, $0x38;
	[tilespmem:$0x18600] =	vst v63  }
0x1f: {  	_ =	swait.ge [sflag:s14], $0x80  }
0x20: {  	[sflag:s14] =	ssyncset.done $0x0  }
0x21: {  	[sflag:s14] =	ssyncadd.s32 $0xFFFFFF80  }
0x22: {  	[tilespmem:s18], [sflag:$0x1] =	stream.indirect.gather [hbm4b:s4+s17], $0x80, s15, s17, $0xb8;
	[tilespmem:$0x18600] =	vst v63  }
0x23: {  	_ =	swait.ge [sflag:s19], $0x4000  }
0x24: {  	[sflag:s19] =	ssyncset.done $0x0  }
0x25: {  	[sflag:s19] =	ssyncadd.s32 $0xFFFFC000  }
0x26: {  	[spmem:s2] =	stream.indirect.scatter.add.f32 [tilespmem:s18], [sflag:$0x2], $0x80, s16, s17, $0xb8;
	[tilespmem:$0x18600] =	vst v63  }
0x27: {  	_ =	swait.ge [sflag:s14], $0x4000  }
0x28: {  	s26 =	simm.s32 $0x20;
	s25 =	simm.s32 $0x10;
	[sflag:s14] =	ssyncset.done $0x0  }
.LBB2_2:
0x29: {  	s28 =	sadd.s32 s25, s12  }
0x2a: {  	[sflag:s14] =	ssyncadd.s32 $0xFFFFC000;
	s29 =	smov.u32 s26;
	s30 =	sadd.s32 $0x10, s26  }
0x2b: {  	[tilespmem:s15], [sflag:$0x2] =	stream.linear.gather [hbm4b:s28+s3], $0x80, $0x38;
	[tilespmem:$0x18600] =	vst v63  }
0x2c: {  	p0 =	sne.s32 s26, $0x4D0;
	_ =	swait.ge [sflag:s14], $0x80  }
0x2d: {  	[sflag:s14] =	ssyncset.done $0x0  }
0x2e: {  	s26 =	sadd.s32 s25, s11;
	s25 =	smov.u32 s29;
	[sflag:s14] =	ssyncadd.s32 $0xFFFFFF80  }
0x2f: {  	[tilespmem:s16], [sflag:$0x2] =	stream.linear.gather [hbm4b:s26+s3], $0x80, $0x38;
	[tilespmem:$0x18600] =	vst v63  }
0x30: {  	_ =	swait.ge [sflag:s14], $0x80  }
0x31: {  	[sflag:s14] =	ssyncset.done $0x0  }
0x32: {  	[sflag:s14] =	ssyncadd.s32 $0xFFFFFF80  }
0x33: {  	[tilespmem:s18], [sflag:$0x1] =	stream.indirect.gather [hbm4b:s4+s17], $0x80, s15, s17, $0xb8;
	[tilespmem:$0x18600] =	vst v63  }
0x34: {  	_ =	swait.ge [sflag:s19], $0x4000  }
.Ltmp0:
0x35: {  	[sflag:s19] =	ssyncset.done $0x0;
	(pc) =	sbr.rel @p0 .LBB2_2-.Ltmp0, $4  }
0x36: {  	[sflag:s19] =	ssyncadd.s32 $0xFFFFC000  }
0x37: {  	[spmem:s2] =	stream.indirect.scatter.add.f32 [tilespmem:s18], [sflag:$0x2], $0x80, s16, s17, $0xb8;
	[tilespmem:$0x18600] =	vst v63  }
0x38: {  	_ =	swait.ge [sflag:s14], $0x4000  }
0x39: {  	s26 =	smov.u32 s30;
	[sflag:s14] =	ssyncset.done $0x0  }
0x3a: {  	s26 =	sadd.s32 s25, s12;
	[sflag:s14] =	ssyncadd.s32 $0xFFFFC000  }
0x3b: {  	[tilespmem:s15], [sflag:$0x2] =	stream.linear.gather [hbm4b:s26+s3], $0x80, $0x38;
	[tilespmem:$0x18600] =	vst v63  }
0x3c: {  	_ =	swait.ge [sflag:s14], $0x80  }
0x3d: {  	[sflag:s14] =	ssyncset.done $0x0  }
0x3e: {  	s31 =	sadd.s32 s25, s11;
	[sflag:s14] =	ssyncadd.s32 $0xFFFFFF80  }
0x3f: {  	[tilespmem:s16], [sflag:$0x2] =	stream.linear.gather [hbm4b:s31+s3], $0x80, $0x38;
	[tilespmem:$0x18600] =	vst v63  }
0x40: {  	_ =	swait.ge [sflag:s14], $0x80  }
0x41: {  	[sflag:s14] =	ssyncset.done $0x0  }
0x42: {  	[sflag:s14] =	ssyncadd.s32 $0xFFFFFF80  }
0x43: {  	[tilespmem:s18], [sflag:$0x1] =	stream.indirect.gather [hbm4b:s4+s17], $0x80, s15, s17, $0xb8;
	[tilespmem:$0x18600] =	vst v63  }
0x44: {  	_ =	swait.ge [sflag:s19], $0x4000  }
0x45: {  	[sflag:s19] =	ssyncset.done $0x0  }
0x46: {  	[sflag:s19] =	ssyncadd.s32 $0xFFFFC000  }
0x47: {  	[spmem:s2] =	stream.indirect.scatter.add.f32 [tilespmem:s18], [sflag:$0x2], $0x80, s16, s17, $0xb8;
	[tilespmem:$0x18600] =	vst v63  }
0x48: {  	_ =	swait.ge [sflag:s14], $0x4000  }
0x49: {  	[sflag:s14] =	ssyncset.done $0x0  }
0x4a: {  	[sflag:s14] =	ssyncadd.s32 $0xFFFFC000  }
0x4b: {  	[tilespmem:s20], [sflag:$0x2] =	stream.linear.gather [hbm4b:s7+s3], $0x10, $0x38;
	[tilespmem:$0x18600] =	vst v63  }
0x4c: {  	_ =	swait.ge [sflag:s14], $0x10  }
0x4d: {  	[sflag:s14] =	ssyncset.done $0x0  }
0x4e: {  	[sflag:s14] =	ssyncadd.s32 $0xFFFFFFF0  }
0x4f: {  	[tilespmem:s21], [sflag:$0x2] =	stream.linear.gather [hbm4b:s8+s3], $0x10, $0x38;
	[tilespmem:$0x18600] =	vst v63  }
0x50: {  	_ =	swait.ge [sflag:s14], $0x10  }
0x51: {  	[sflag:s14] =	ssyncset.done $0x0  }
0x52: {  	[sflag:s14] =	ssyncadd.s32 $0xFFFFFFF0  }
0x53: {  	[tilespmem:s23], [sflag:$0x1] =	stream.indirect.gather [hbm4b:s4+s22], $0x80, s20, s22, $0xb8;
	[tilespmem:$0x18600] =	vst v63  }
0x54: {  	_ =	swait.ge [sflag:s19], $0x800  }
0x55: {  	[sflag:s19] =	ssyncset.done $0x0  }
0x56: {  	[sflag:s19] =	ssyncadd.s32 $0xFFFFF800  }
0x57: {  	[spmem:s2] =	stream.indirect.scatter.add.f32 [tilespmem:s23], [sflag:$0x2], $0x80, s21, s22, $0xb8;
	[tilespmem:$0x18600] =	vst v63  }
0x58: {  	_ =	swait.ge [sflag:s14], $0x800  }
0x59: {  	s24 =	sadd.s32 $0x1, s24;
	[sflag:s14] =	ssyncset.done $0x0  }
0x5a: {  	p0 =	sne.s32 s24, s10;
	[sflag:s14] =	ssyncadd.s32 $0xFFFFF800  }
.Ltmp1:
0x5b: {  	[bflag:$0x0] =	sbarrier.arrive $0xFFFF;
	(pc) =	sbr.rel @p0 .LBB2_1-.Ltmp1, $4  }
0x5c: {  	[hbm:s9], [sflag:s6] =	dma.local [spmem:s13], $0x2780  }
0x5d: {  	_ =	swait.ge [sflag:s14], $0x2780  }
0x5e: {  	[sflag:s14] =	ssyncset.done $0x0  }
0x5f: {  	[sflag:s14] =	ssyncadd.s32 $0xFFFFD880  }
0x60: {  	_ =	sfence.sel $0x180000  }
0x61: {  	[bflag:$0x0] =	sbarrier.arrive $0xFFFF  }
0x62: {  	p0 =	sne.s32 s1, $0x0;
	_ =	strace $0x9000004A  }
0x63: {  	s0 =	sadd.s32 @!p0 $0x100000, s0;
	[bflag:$0x2] =	sbarrier.arrive $0xFFFF  }
0x64: {  	[sflag:s0] =	ssyncadd.tile.s32 @!p0 $0x1;
	_ =	shalt  }
.Lfunc_end2:
_tile_overlayer_lowered:
.L_overlay_start_2:
0x65: {  	(tag) =	ssettag $0x2  }
0x66: {  	s0 =	rddreg [dreg:$0x0];
	s2 =	stileid.u32  }
0x67: {  	s1 =	rddreg [dreg:$0x1];
	p0 =	sne.s32 s2, $0x0  }
0x68: {  	s3 =	rddreg [dreg:$0x2];
	[bflag:$0x3] =	sbarrier.arrive $0xFFFF;
	s2 =	simm.s32 @!p0 $0x1C02  }
0x69: {  	[timem:s3], [sflag:s2] =	dma.local @!p0 [hbm:s0], s1  }
0x6a: {  	s0 =	simm.s32 @!p0 $0x2  }
0x6b: {  	_ =	swait.ge @!p0 [sflag:s0], s1  }
0x6c: {  	s1 =	ssub.s32 @!p0 $0x0, s1;
	[sflag:s0] =	ssyncset.done @!p0 $0x0  }
0x6d: {  	[sflag:s0] =	ssyncadd.s32 @!p0 s1  }
0x6e: {  	[bflag:$0x3] =	sbarrier.arrive $0xFFFF  }
0x6f: {  	_ =	shalt  }

// kernel: kernel.14.cloned.1.call-start
scs
__scs_entry_jumppad:
0x0: {  	(pc) =	sbr.rel $0x88, $3  }
0x1: {  	(tag) =	ssettag $0x0;
	lr =	simm.s32 $0x1  }
0x2: {  	[smem:$0x3F99] =	sst lr;
	_ =	strace $0xD0000000  }
0x3: {  	_ = 	snop  }
0x4: {  	_ = 	snop  }
0x5: {  	_ = 	snop  }
0x6: {  	_ = 	snop  }
0x7: {  	_ = 	snop  }
__scs_overlays_trampoline_lowered:
0x8: {  	[smem:$0x3FA8] =	sst s0  }
0x9: {  	[smem:$0x3FA9] =	sst s1  }
0xa: {  	[smem:$0x3FAA] =	sst s2  }
0xb: {  	[smem:$0x3FAB] =	sst s3  }
0xc: {  	[smem:$0x3FAC] =	sst s4  }
0xd: {  	[smem:$0x3FAD] =	sst s5  }
0xe: {  	[smem:$0x3FAE] =	sst s6  }
0xf: {  	[smem:$0x3FAF] =	sst s7  }
0x10: {  	[smem:$0x3FB0] =	sst s8  }
0x11: {  	[smem:$0x3FB1] =	sst s9;
	s0 =	simm.s32 @!p0 $0x0  }
0x12: {  	s1 =	sld [smem:$0x3F97];
	s0 =	simm.s32 @p0 $0x1  }
0x13: {  	[smem:$0x3FB2] =	sst s0;
	s0 =	simm.s32 @!p1 $0x0  }
0x14: {  	s2 =	sld [smem:$0x3F96];
	s0 =	simm.s32 @p1 $0x1  }
0x15: {  	[smem:$0x3FB3] =	sst s0;
	s0 =	simm.s32 @!p2 $0x0  }
0x16: {  	s3 =	sld [smem:$0x3FDB];
	s0 =	simm.s32 @p2 $0x1  }
0x17: {  	s4 =	simm.s32 $0x1BF5;
	[smem:$0x3FB5] =	sst s0  }
0x18: {  	s0 =	sld [smem:$0x3F98];
	_ =	swait.ge [sflag:s4], $0x0  }
0x19: {  	s7 =	sld [smem:$0x3F99]  }
0x1a: {  	s8 =	sadd.s32 $0xFFFFE003, lr  }
0x1b: {  	s9 =	sadd.s32 $0xFFFFFEF7, lr;
	s5 =	simm.s32 $0xFFFFFFFF;
	p2 =	slt.u32 s8, $0xFFFFF086  }
0x1c: {  	p1 =	slt.u32 s9, $0xF7A;
	s5 =	simm.s32 @!p2 $0x0  }
0x1d: {  	s5 =	simm.s32 @p1 $0x1;
	p0 =	seq.s32 s7, s2  }
0x1e: {  	s7 =	smul.u32 @!p0 $0xF7A, s2;
	p2 =	seq.s32 @!p0 s5, $0x0  }
0x1f: {  	s9 =	smul.u32 $0xF7A, s1;
	s8 =	simm.s32 @!p0 $0x1BF5;
	p2 =	por !p2, p0  }
0x20: {  	[sflag:s8] =	ssyncset.s32 @!p0 $0xFFFFF086;
	s6 =	sadd.s32 @!p0 s3, s7;
	s7 =	simm.s32 @!p0 $0x108  }
0x21: {  	s3 =	sadd.s32 s3, s9;
	s6 =	sadd.s32 @!p0 $0x88, s6;
	s7 =	simm.s32 @p2 $0x1082  }
0x22: {  	[simem:s7], [sflag:s8] =	dma.local @!p0 [hbm:s6], $0xF7A  }
0x23: {  	s9 =	sor.u32 $0xD0000000, s2;
	s6 =	simm.s32 $0x108;
	_ =	swait.ge @!p0 [sflag:s8], $0x0  }
0x24: {  	s3 =	sadd.s32 $0x88, s3;
	s6 =	simm.s32 @!p1 $0x1082;
	[sflag:s4] =	ssyncset.s32 $0xFFFFF086  }
0x25: {  	[simem:s6], [sflag:s4] =	dma.local [hbm:s3], $0xF7A  }
0x26: {  	[smem:$0x3F99] =	sst s1;
	(tag) =	ssettag s2;
	_ =	strace s9  }
0x27: {  	s1 =	sld [smem:$0x3FA9]  }
0x28: {  	s2 =	sld [smem:$0x3FAA]  }
0x29: {  	s4 =	sld [smem:$0x3FAC]  }
0x2a: {  	p0 =	seq.s32 s5, $0x0;
	s5 =	sld [smem:$0x3FAD]  }
0x2b: {  	s6 =	sld [smem:$0x3FAE]  }
0x2c: {  	s7 =	sld [smem:$0x3FAF]  }
0x2d: {  	s3 =	simm.s32 $0x108;
	s8 =	sld [smem:$0x3FB0]  }
0x2e: {  	s3 =	simm.s32 @!p0 $0x1082;
	s9 =	sld [smem:$0x3FB1]  }
0x2f: {  	lr =	sadd.s32 s0, s3;
	s0 =	sld [smem:$0x3FA8]  }
0x30: {  	s3 =	sld [smem:$0x3FAB]  }
0x31: {  	[smem:$0x3FB4] =	sst s10  }
0x32: {  	s10 =	sld [smem:$0x3FB2];
	_ =	sdelay $0x3  }
0x33: {  	p0 =	seq.s32 s10, $0x1;
	s10 =	sld [smem:$0x3FB4];
	_ =	sdelay $0x3  }
0x34: {  	[smem:$0x3FB4] =	sst s10  }
0x35: {  	s10 =	sld [smem:$0x3FB3];
	_ =	sdelay $0x3  }
0x36: {  	p1 =	seq.s32 s10, $0x1;
	s10 =	sld [smem:$0x3FB4];
	_ =	sdelay $0x3  }
0x37: {  	[smem:$0x3FB4] =	sst s10  }
0x38: {  	s10 =	sld [smem:$0x3FB5]  }
0x39: {  	_ = 	snop;
	(pc) =	sbr.ind lr, $3  }
0x3a: {  	_ = 	snop  }
0x3b: {  	_ = 	snop  }
0x3c: {  	p2 =	seq.s32 s10, $0x1;
	s10 =	sld [smem:$0x3FB4]  }
0x3d: {  	_ =	shalt  }
0x3e: {  	_ =	shalt  }
0x3f: {  	_ =	shalt  }
0x40: {  	_ =	shalt  }
0x41: {  	_ =	shalt  }
0x42: {  	_ =	shalt  }
0x43: {  	_ =	shalt  }
0x44: {  	_ =	shalt  }
0x45: {  	_ =	shalt  }
0x46: {  	_ =	shalt  }
0x47: {  	_ =	shalt  }
0x48: {  	_ =	shalt  }
0x49: {  	_ =	shalt  }
0x4a: {  	_ =	shalt  }
0x4b: {  	_ =	shalt  }
0x4c: {  	_ =	shalt  }
0x4d: {  	_ =	shalt  }
0x4e: {  	_ =	shalt  }
0x4f: {  	_ =	shalt  }
0x50: {  	_ =	shalt  }
0x51: {  	_ =	shalt  }
0x52: {  	_ =	shalt  }
0x53: {  	_ =	shalt  }
0x54: {  	_ =	shalt  }
0x55: {  	_ =	shalt  }
0x56: {  	_ =	shalt  }
0x57: {  	_ =	shalt  }
0x58: {  	_ =	shalt  }
0x59: {  	_ =	shalt  }
0x5a: {  	_ =	shalt  }
0x5b: {  	_ =	shalt  }
0x5c: {  	_ =	shalt  }
0x5d: {  	_ =	shalt  }
0x5e: {  	_ =	shalt  }
0x5f: {  	_ =	shalt  }
0x60: {  	_ =	shalt  }
0x61: {  	_ =	shalt  }
0x62: {  	_ =	shalt  }
0x63: {  	_ =	shalt  }
0x64: {  	_ =	shalt  }
0x65: {  	_ =	shalt  }
0x66: {  	_ =	shalt  }
0x67: {  	_ =	shalt  }
0x68: {  	_ =	shalt  }
0x69: {  	_ =	shalt  }
0x6a: {  	_ =	shalt  }
0x6b: {  	_ =	shalt  }
0x6c: {  	_ =	shalt  }
0x6d: {  	_ =	shalt  }
0x6e: {  	_ =	shalt  }
0x6f: {  	_ =	shalt  }
0x70: {  	_ =	shalt  }
0x71: {  	_ =	shalt  }
0x72: {  	_ =	shalt  }
0x73: {  	_ =	shalt  }
0x74: {  	_ =	shalt  }
0x75: {  	_ =	shalt  }
0x76: {  	_ =	shalt  }
0x77: {  	_ =	shalt  }
0x78: {  	_ =	shalt  }
0x79: {  	_ =	shalt  }
0x7a: {  	_ =	shalt  }
0x7b: {  	_ =	shalt  }
0x7c: {  	_ =	shalt  }
0x7d: {  	_ =	shalt  }
0x7e: {  	_ =	shalt  }
0x7f: {  	_ =	shalt  }
0x80: {  	_ =	shalt  }
0x81: {  	_ =	shalt  }
0x82: {  	_ =	shalt  }
0x83: {  	_ =	shalt  }
0x84: {  	_ =	shalt  }
0x85: {  	_ =	shalt  }
0x86: {  	_ =	shalt  }
0x87: {  	_ =	shalt  }
.Lfunc_end0:
.L_simem_size_0:
called_computation.2_lowered:
.L_overlay_start_0:
0x88: {  	s2 =	sld [smem:$0x3FD9]  }
0x89: {  	s3 =	sld [smem:$0x3FFE];
	_ =	sdelay $0x1  }
0x8a: {  	s1 =	srdreg.scid  }
0x8b: {  	s0 =	sand.u32 $0x1, s1  }
0x8c: {  	s16 =	sshll.u32 s0, $0xA;
	s2 =	sadd.s32 s3, s2  }
0x8d: {  	s2 =	sadd.s32 s2, s16  }
0x8e: {  	[smem:$0x3FC0] =	sst s2  }
0x8f: {  	_ = 	snop  }
0x90: {  	(tm) =	ssettm $0x1  }
0x91: {  	s17 =	sld [smem:$0x3FFB];
	_ =	sdelay $0x3  }
0x92: {  	_ =	strace s17  }
0x93: {  	s2 =	sld [smem:$0x3FFC];
	_ =	sdelay $0x3  }
0x94: {  	_ =	strace s2  }
0x95: {  	s2 =	sld [smem:$0x3FFD];
	_ =	sdelay $0x3  }
0x96: {  	_ =	strace s2  }
0x97: {  	_ =	strace $0x8FFFFFFF  }
0x98: {  	s18 =	sld [smem:$0x3FDB];
	_ =	sdelay $0x1  }
0x99: {  	s19 =	simm.s32 $_scs_section_size  }
0x9a: {  	s4 =	simm.s32 $_size__tile_overlayer_lowered;
	s5 =	simm.s32 $_tile_overlayer_lowered  }
0x9b: {  	s22 =	simm.s32 $0x1BFF;
	s21 =	sshll.u32 s5, $0x1;
	s2 =	sadd.s32 s19, s18  }
0x9c: {  	s6 =	simm.s32 $0x0;
	s20 =	sshll.u32 s4, $0x1;
	s4 =	sadd.s32 s21, s2  }
0x9d: {  	[timem:s6], [sflag:s22] =	dma.local [hbm:s4], s20  }
0x9e: {  	_ =	swait.ge [sflag:s22], s20  }
0x9f: {  	s3 =	ssub.s32 $0x0, s20;
	[sflag:s22] =	ssyncset.done $0x0  }
0xa0: {  	[sflag:s22] =	ssyncadd.s32 s3;
	_ =	sdelay $0x1  }
0xa1: {  	s23 =	simm.s32 $0x1B8B  }
0xa2: {  	_ =	swait.ge [sflag:s23], $0x1  }
0xa3: {  	[sflag:s23] =	ssyncset.done $0x0  }
0xa4: {  	s25 =	simm.s32 $0x1B8E;
	s24 =	sld [smem:$0x3FFE];
	[sflag:s23] =	ssyncadd.s32 $0xFFFFFFFF  }
0xa5: {  	s26 =	simm.s32 $execute0_lowered;
	[smem:$0x3FD2] =	sst s25  }
0xa6: {  	s4 =	sshll.u32 s26, $0x1;
	_ =	strace $0x8000004C;
	[dreg:$0x1] =	wrdreg $0xFFFFFFFF  }
0xa7: {  	s28 =	simm.s32 $_size_execute0_lowered;
	s2 =	sadd.s32 s2, s4;
	[dreg:$0x0] =	wrdreg $0x0  }
0xa8: {  	s4 =	sshll.u32 s28, $0x1;
	[dreg:$0x2] =	wrdreg s2  }
0xa9: {  	[dreg:$0x3] =	wrdreg s4  }
0xaa: {  	[dreg:$0x4] =	wrdreg $0xC0  }
0xab: {  	_ =	task [dreg:s6], $0x5FFFF  }
0xac: {  	[dreg:$0x1] =	wrdreg $0xFFFFFFFF  }
0xad: {  	[dreg:$0x0] =	wrdreg $0x60  }
0xae: {  	[dreg:$0x2] =	wrdreg s24  }
0xaf: {  	[dreg:$0x3] =	wrdreg $0x0  }
0xb0: {  	[dreg:$0x4] =	wrdreg $0x9  }
0xb1: {  	_ =	task.clear_ibuf [dreg:s6], $0x5FFFF;
	_ =	strace $0x9000004C  }
0xb2: {  	s29 =	simm.s32 $0x9;
	_ =	strace $0x8000004E  }
0xb3: {  	_ =	swait.ge [sflag:s29], $0x1  }
0xb4: {  	[sflag:s29] =	ssyncadd.s32 $0xFFFFFFFF  }
0xb5: {  	_ =	strace $0x9000004E  }
0xb6: {  	_ =	sfence  }
0xb7: {  	s30 =	sld [smem:$0x0];
	_ =	sdelay $0x2  }
0xb8: {  	s31 =	sshll.u32 s1, $0xD;
	s1 =	sshrl.u32 s1, $0x2  }
0xb9: {  	s3 =	sand.u32 $0x4000, s31;
	s1 =	sadd.s32 s1, s30  }
0xba: {  	s0 =	sor.u32 s3, s0;
	s1 =	sshll.u32 s1, $0x11  }
0xbb: {  	s0 =	sor.u32 s1, s0  }
0xbc: {  	s0 =	sadd.s32 $0x8F2B, s0  }
0xbd: {  	[sflag:s0] =	ssyncadd.remote.s32 $0x1  }
0xbe: {  	_ =	sfence.sel $0xFFFF  }
0xbf: {  	[dreg:$0x0] =	wrdreg $0xFFFFFFFF;
	(pc) =	sbr.abs _section_cstart, $3  }
0xc0: {  	[dreg:$0x1] =	wrdreg $0xFFFFFFFF  }
0xc1: {  	_ =	task.clear_ibuf [dreg:s6], $0x2FFFF;
	_ =	strace $0x9FFFFFFF  }
0xc2: {  	(tm) =	ssettm $0x7FFFFFFF  }
0xc3: {  	_ =	shalt  }
tec
execute0_lowered:
.L_overlay_start_1:
0x0: {  	(tag) =	ssettag $0x1  }
0x1: {  	s5 =	rddreg [dreg:$0x0]  }
0x2: {  	s2 =	rddreg [dreg:$0x1]  }
0x3: {  	s0 =	rddreg [dreg:$0x2];
	s1 =	stileid.u32  }
0x4: {  	s4 =	srdreg.scid;
	s3 =	simm.s32 $0x0;
	s16 =	simm.s32 $0x13C80  }
0x5: {  	s17 =	simm.s32 $0x80;
	s18 =	simm.s32 $0x13D00;
	s19 =	simm.s32 $0x1  }
0x6: {  	s20 =	simm.s32 $0x17D00;
	s21 =	simm.s32 $0x17D80;
	s6 =	smul.u32 $0x13C00, s1  }
0x7: {  	s7 =	sand.u32 $0x1, s4;
	[smem:$0x7FF] =	sst s3;
	s13 =	smul.u32 $0x4F000, s1  }
0x8: {  	s4 =	sadd.s32 $0x8D400, s5;
	s12 =	sadd.s32 $0x2800, s5;
	s15 =	smul.u32 $0x2710, s1  }
0x9: {  	s11 =	sadd.s32 $0xC600, s5;
	s29 =	sshll.u32 s1, $0x6;
	s8 =	smul.u32 $0x13C000, s7  }
0xa: {  	_ =	strace $0x8000004D;
	s23 =	sshll.u32 s7, $0x4;
	s10 =	ssub.s32 $0x2, s7  }
0xb: {  	s28 =	smul.u32 $0x27100, s7;
	s9 =	sshrl.u32 s6, $0x3;
	s24 =	sshrl.u32 s10, $0x1  }
0xc: {  	s26 =	sshrl.u32 s13, $0x2;
	s6 =	sadd.s32 s6, s8;
	s22 =	sadd.s32 s9, s5  }
0xd: {  	s9 =	sor.u32 s1, s23;
	s10 =	ssub.s32 s10, s24;
	s13 =	sadd.s32 s26, s2  }
0xe: {  	s15 =	sadd.s32 s15, s28;
	s23 =	simm.s32 $0x17E00;
	s24 =	simm.s32 $0x0  }
0xf: {  	s6 =	sshrl.u32 s6, $0x3;
	s25 =	smul.u32 $0x2710, s9;
	s31 =	sshrl.u32 s15, $0x3  }
0x10: {  	s10 =	smax.u32 s10, $0x1;
	s13 =	sshrl.u32 s13, $0x3;
	s15 =	simm.s32 $0x13C00  }
0x11: {  	s14 =	sadd.s32 s6, s5;
	s5 =	sadd.s32 $0x16400, s22;
	s6 =	sshrl.u32 s25, $0x3  }
0x12: {  	s22 =	simm.s32 $0x10;
	s9 =	sadd.s32 $0xB4600, s14;
	s30 =	sadd.s32 $0x4E0, s6  }
0x13: {  	s14 =	simm.s32 $0x2;
	s6 =	sor.u32 $0x1C02, s29;
	s7 =	sadd.s32 s12, s30  }
0x14: {  	s8 =	sadd.s32 s11, s30;
	s11 =	sadd.s32 s31, s11;
	s12 =	sadd.s32 s31, s12  }
.LBB2_1:
0x15: {  	[spmem:s13], [sflag:s6] =	dma.local [hbm:s5], $0x2780  }
0x16: {  	_ =	swait.ge [sflag:s14], $0x2780  }
0x17: {  	[sflag:s14] =	ssyncset.done $0x0  }
0x18: {  	[sflag:s14] =	ssyncadd.s32 $0xFFFFD880  }
0x19: {  	s25 =	sadd.s32 $0x0, s12;
	[bflag:$0x0] =	sbarrier.arrive $0xFFFF  }
0x1a: {  	[tilespmem:s15], [sflag:$0x2] =	stream.linear.gather [hbm4b:s25+s3], $0x80, $0x38;
	[tilespmem:$0x18600] =	vst v63  }
0x1b: {  	_ =	swait.ge [sflag:s14], $0x80  }
0x1c: {  	[sflag:s14] =	ssyncset.done $0x0  }
0x1d: {  	s31 =	sadd.s32 $0x0, s11;
	[sflag:s14] =	ssyncadd.s32 $0xFFFFFF80  }
0x1e: {  	[tilespmem:s16], [sflag:$0x2] =	stream.linear.gather [hbm4b:s31+s3], $0x80, $0x38;
	[tilespmem:$0x18600] =	vst v63  }
0x1f: {  	_ =	swait.ge [sflag:s14], $0x80  }
0x20: {  	[sflag:s14] =	ssyncset.done $0x0  }
0x21: {  	[sflag:s14] =	ssyncadd.s32 $0xFFFFFF80  }
0x22: {  	[tilespmem:s18], [sflag:$0x1] =	stream.indirect.gather [hbm4b:s4+s17], $0x80, s15, s17, $0xb8;
	[tilespmem:$0x18600] =	vst v63  }
0x23: {  	_ =	swait.ge [sflag:s19], $0x4000  }
0x24: {  	[sflag:s19] =	ssyncset.done $0x0  }
0x25: {  	[sflag:s19] =	ssyncadd.s32 $0xFFFFC000  }
0x26: {  	[spmem:s2] =	stream.indirect.scatter.add.f32 [tilespmem:s18], [sflag:$0x2], $0x80, s16, s17, $0xb8;
	[tilespmem:$0x18600] =	vst v63  }
0x27: {  	_ =	swait.ge [sflag:s14], $0x4000  }
0x28: {  	s26 =	simm.s32 $0x20;
	s25 =	simm.s32 $0x10;
	[sflag:s14] =	ssyncset.done $0x0  }
.LBB2_2:
0x29: {  	s28 =	sadd.s32 s25, s12  }
0x2a: {  	[sflag:s14] =	ssyncadd.s32 $0xFFFFC000;
	s29 =	smov.u32 s26;
	s30 =	sadd.s32 $0x10, s26  }
0x2b: {  	[tilespmem:s15], [sflag:$0x2] =	stream.linear.gather [hbm4b:s28+s3], $0x80, $0x38;
	[tilespmem:$0x18600] =	vst v63  }
0x2c: {  	p0 =	sne.s32 s26, $0x4D0;
	_ =	swait.ge [sflag:s14], $0x80  }
0x2d: {  	[sflag:s14] =	ssyncset.done $0x0  }
0x2e: {  	s26 =	sadd.s32 s25, s11;
	s25 =	smov.u32 s29;
	[sflag:s14] =	ssyncadd.s32 $0xFFFFFF80  }
0x2f: {  	[tilespmem:s16], [sflag:$0x2] =	stream.linear.gather [hbm4b:s26+s3], $0x80, $0x38;
	[tilespmem:$0x18600] =	vst v63  }
0x30: {  	_ =	swait.ge [sflag:s14], $0x80  }
0x31: {  	[sflag:s14] =	ssyncset.done $0x0  }
0x32: {  	[sflag:s14] =	ssyncadd.s32 $0xFFFFFF80  }
0x33: {  	[tilespmem:s18], [sflag:$0x1] =	stream.indirect.gather [hbm4b:s4+s17], $0x80, s15, s17, $0xb8;
	[tilespmem:$0x18600] =	vst v63  }
0x34: {  	_ =	swait.ge [sflag:s19], $0x4000  }
.Ltmp0:
0x35: {  	[sflag:s19] =	ssyncset.done $0x0;
	(pc) =	sbr.rel @p0 .LBB2_2-.Ltmp0, $4  }
0x36: {  	[sflag:s19] =	ssyncadd.s32 $0xFFFFC000  }
0x37: {  	[spmem:s2] =	stream.indirect.scatter.add.f32 [tilespmem:s18], [sflag:$0x2], $0x80, s16, s17, $0xb8;
	[tilespmem:$0x18600] =	vst v63  }
0x38: {  	_ =	swait.ge [sflag:s14], $0x4000  }
0x39: {  	s26 =	smov.u32 s30;
	[sflag:s14] =	ssyncset.done $0x0  }
0x3a: {  	s26 =	sadd.s32 s25, s12;
	[sflag:s14] =	ssyncadd.s32 $0xFFFFC000  }
0x3b: {  	[tilespmem:s15], [sflag:$0x2] =	stream.linear.gather [hbm4b:s26+s3], $0x80, $0x38;
	[tilespmem:$0x18600] =	vst v63  }
0x3c: {  	_ =	swait.ge [sflag:s14], $0x80  }
0x3d: {  	[sflag:s14] =	ssyncset.done $0x0  }
0x3e: {  	s31 =	sadd.s32 s25, s11;
	[sflag:s14] =	ssyncadd.s32 $0xFFFFFF80  }
0x3f: {  	[tilespmem:s16], [sflag:$0x2] =	stream.linear.gather [hbm4b:s31+s3], $0x80, $0x38;
	[tilespmem:$0x18600] =	vst v63  }
0x40: {  	_ =	swait.ge [sflag:s14], $0x80  }
0x41: {  	[sflag:s14] =	ssyncset.done $0x0  }
0x42: {  	[sflag:s14] =	ssyncadd.s32 $0xFFFFFF80  }
0x43: {  	[tilespmem:s18], [sflag:$0x1] =	stream.indirect.gather [hbm4b:s4+s17], $0x80, s15, s17, $0xb8;
	[tilespmem:$0x18600] =	vst v63  }
0x44: {  	_ =	swait.ge [sflag:s19], $0x4000  }
0x45: {  	[sflag:s19] =	ssyncset.done $0x0  }
0x46: {  	[sflag:s19] =	ssyncadd.s32 $0xFFFFC000  }
0x47: {  	[spmem:s2] =	stream.indirect.scatter.add.f32 [tilespmem:s18], [sflag:$0x2], $0x80, s16, s17, $0xb8;
	[tilespmem:$0x18600] =	vst v63  }
0x48: {  	_ =	swait.ge [sflag:s14], $0x4000  }
0x49: {  	[sflag:s14] =	ssyncset.done $0x0  }
0x4a: {  	[sflag:s14] =	ssyncadd.s32 $0xFFFFC000  }
0x4b: {  	[tilespmem:s20], [sflag:$0x2] =	stream.linear.gather [hbm4b:s7+s3], $0x10, $0x38;
	[tilespmem:$0x18600] =	vst v63  }
0x4c: {  	_ =	swait.ge [sflag:s14], $0x10  }
0x4d: {  	[sflag:s14] =	ssyncset.done $0x0  }
0x4e: {  	[sflag:s14] =	ssyncadd.s32 $0xFFFFFFF0  }
0x4f: {  	[tilespmem:s21], [sflag:$0x2] =	stream.linear.gather [hbm4b:s8+s3], $0x10, $0x38;
	[tilespmem:$0x18600] =	vst v63  }
0x50: {  	_ =	swait.ge [sflag:s14], $0x10  }
0x51: {  	[sflag:s14] =	ssyncset.done $0x0  }
0x52: {  	[sflag:s14] =	ssyncadd.s32 $0xFFFFFFF0  }
0x53: {  	[tilespmem:s23], [sflag:$0x1] =	stream.indirect.gather [hbm4b:s4+s22], $0x80, s20, s22, $0xb8;
	[tilespmem:$0x18600] =	vst v63  }
0x54: {  	_ =	swait.ge [sflag:s19], $0x800  }
0x55: {  	[sflag:s19] =	ssyncset.done $0x0  }
0x56: {  	[sflag:s19] =	ssyncadd.s32 $0xFFFFF800  }
0x57: {  	[spmem:s2] =	stream.indirect.scatter.add.f32 [tilespmem:s23], [sflag:$0x2], $0x80, s21, s22, $0xb8;
	[tilespmem:$0x18600] =	vst v63  }
0x58: {  	_ =	swait.ge [sflag:s14], $0x800  }
0x59: {  	s24 =	sadd.s32 $0x1, s24;
	[sflag:s14] =	ssyncset.done $0x0  }
0x5a: {  	p0 =	sne.s32 s24, s10;
	[sflag:s14] =	ssyncadd.s32 $0xFFFFF800  }
.Ltmp1:
0x5b: {  	[bflag:$0x0] =	sbarrier.arrive $0xFFFF;
	(pc) =	sbr.rel @p0 .LBB2_1-.Ltmp1, $4  }
0x5c: {  	[hbm:s9], [sflag:s6] =	dma.local [spmem:s13], $0x2780  }
0x5d: {  	_ =	swait.ge [sflag:s14], $0x2780  }
0x5e: {  	[sflag:s14] =	ssyncset.done $0x0  }
0x5f: {  	[sflag:s14] =	ssyncadd.s32 $0xFFFFD880  }
0x60: {  	_ =	sfence.sel $0x180000  }
0x61: {  	[bflag:$0x0] =	sbarrier.arrive $0xFFFF  }
0x62: {  	p0 =	sne.s32 s1, $0x0;
	_ =	strace $0x9000004D  }
0x63: {  	s0 =	sadd.s32 @!p0 $0x100000, s0;
	[bflag:$0x2] =	sbarrier.arrive $0xFFFF  }
0x64: {  	[sflag:s0] =	ssyncadd.tile.s32 @!p0 $0x1;
	_ =	shalt  }
.Lfunc_end2:
_tile_overlayer_lowered:
.L_overlay_start_2:
0x65: {  	(tag) =	ssettag $0x2  }
0x66: {  	s0 =	rddreg [dreg:$0x0];
	s2 =	stileid.u32  }
0x67: {  	s1 =	rddreg [dreg:$0x1];
	p0 =	sne.s32 s2, $0x0  }
0x68: {  	s3 =	rddreg [dreg:$0x2];
	[bflag:$0x3] =	sbarrier.arrive $0xFFFF;
	s2 =	simm.s32 @!p0 $0x1C02  }
0x69: {  	[timem:s3], [sflag:s2] =	dma.local @!p0 [hbm:s0], s1  }
0x6a: {  	s0 =	simm.s32 @!p0 $0x2  }
0x6b: {  	_ =	swait.ge @!p0 [sflag:s0], s1  }
0x6c: {  	s1 =	ssub.s32 @!p0 $0x0, s1;
	[sflag:s0] =	ssyncset.done @!p0 $0x0  }
0x6d: {  	[sflag:s0] =	ssyncadd.s32 @!p0 s1  }
0x6e: {  	[bflag:$0x3] =	sbarrier.arrive $0xFFFF  }
0x6f: {  	_ =	shalt  }

// kernel: kernel.8.cloned.1.call-start
scs
__scs_entry_jumppad:
0x0: {  	(pc) =	sbr.rel $0x88, $3  }
0x1: {  	(tag) =	ssettag $0x0;
	lr =	simm.s32 $0x1  }
0x2: {  	[smem:$0x3F99] =	sst lr;
	_ =	strace $0xD0000000  }
0x3: {  	_ = 	snop  }
0x4: {  	_ = 	snop  }
0x5: {  	_ = 	snop  }
0x6: {  	_ = 	snop  }
0x7: {  	_ = 	snop  }
__scs_overlays_trampoline_lowered:
0x8: {  	[smem:$0x3FA8] =	sst s0  }
0x9: {  	[smem:$0x3FA9] =	sst s1  }
0xa: {  	[smem:$0x3FAA] =	sst s2  }
0xb: {  	[smem:$0x3FAB] =	sst s3  }
0xc: {  	[smem:$0x3FAC] =	sst s4  }
0xd: {  	[smem:$0x3FAD] =	sst s5  }
0xe: {  	[smem:$0x3FAE] =	sst s6  }
0xf: {  	[smem:$0x3FAF] =	sst s7  }
0x10: {  	[smem:$0x3FB0] =	sst s8  }
0x11: {  	[smem:$0x3FB1] =	sst s9;
	s0 =	simm.s32 @!p0 $0x0  }
0x12: {  	s1 =	sld [smem:$0x3F97];
	s0 =	simm.s32 @p0 $0x1  }
0x13: {  	[smem:$0x3FB2] =	sst s0;
	s0 =	simm.s32 @!p1 $0x0  }
0x14: {  	s2 =	sld [smem:$0x3F96];
	s0 =	simm.s32 @p1 $0x1  }
0x15: {  	[smem:$0x3FB3] =	sst s0;
	s0 =	simm.s32 @!p2 $0x0  }
0x16: {  	s3 =	sld [smem:$0x3FDB];
	s0 =	simm.s32 @p2 $0x1  }
0x17: {  	s4 =	simm.s32 $0x1BF5;
	[smem:$0x3FB5] =	sst s0  }
0x18: {  	s0 =	sld [smem:$0x3F98];
	_ =	swait.ge [sflag:s4], $0x0  }
0x19: {  	s7 =	sld [smem:$0x3F99]  }
0x1a: {  	s8 =	sadd.s32 $0xFFFFE003, lr  }
0x1b: {  	s9 =	sadd.s32 $0xFFFFFEF7, lr;
	s5 =	simm.s32 $0xFFFFFFFF;
	p2 =	slt.u32 s8, $0xFFFFF086  }
0x1c: {  	p1 =	slt.u32 s9, $0xF7A;
	s5 =	simm.s32 @!p2 $0x0  }
0x1d: {  	s5 =	simm.s32 @p1 $0x1;
	p0 =	seq.s32 s7, s2  }
0x1e: {  	s7 =	smul.u32 @!p0 $0xF7A, s2;
	p2 =	seq.s32 @!p0 s5, $0x0  }
0x1f: {  	s9 =	smul.u32 $0xF7A, s1;
	s8 =	simm.s32 @!p0 $0x1BF5;
	p2 =	por !p2, p0  }
0x20: {  	[sflag:s8] =	ssyncset.s32 @!p0 $0xFFFFF086;
	s6 =	sadd.s32 @!p0 s3, s7;
	s7 =	simm.s32 @!p0 $0x108  }
0x21: {  	s3 =	sadd.s32 s3, s9;
	s6 =	sadd.s32 @!p0 $0x88, s6;
	s7 =	simm.s32 @p2 $0x1082  }
0x22: {  	[simem:s7], [sflag:s8] =	dma.local @!p0 [hbm:s6], $0xF7A  }
0x23: {  	s9 =	sor.u32 $0xD0000000, s2;
	s6 =	simm.s32 $0x108;
	_ =	swait.ge @!p0 [sflag:s8], $0x0  }
0x24: {  	s3 =	sadd.s32 $0x88, s3;
	s6 =	simm.s32 @!p1 $0x1082;
	[sflag:s4] =	ssyncset.s32 $0xFFFFF086  }
0x25: {  	[simem:s6], [sflag:s4] =	dma.local [hbm:s3], $0xF7A  }
0x26: {  	[smem:$0x3F99] =	sst s1;
	(tag) =	ssettag s2;
	_ =	strace s9  }
0x27: {  	s1 =	sld [smem:$0x3FA9]  }
0x28: {  	s2 =	sld [smem:$0x3FAA]  }
0x29: {  	s4 =	sld [smem:$0x3FAC]  }
0x2a: {  	p0 =	seq.s32 s5, $0x0;
	s5 =	sld [smem:$0x3FAD]  }
0x2b: {  	s6 =	sld [smem:$0x3FAE]  }
0x2c: {  	s7 =	sld [smem:$0x3FAF]  }
0x2d: {  	s3 =	simm.s32 $0x108;
	s8 =	sld [smem:$0x3FB0]  }
0x2e: {  	s3 =	simm.s32 @!p0 $0x1082;
	s9 =	sld [smem:$0x3FB1]  }
0x2f: {  	lr =	sadd.s32 s0, s3;
	s0 =	sld [smem:$0x3FA8]  }
0x30: {  	s3 =	sld [smem:$0x3FAB]  }
0x31: {  	[smem:$0x3FB4] =	sst s10  }
0x32: {  	s10 =	sld [smem:$0x3FB2];
	_ =	sdelay $0x3  }
0x33: {  	p0 =	seq.s32 s10, $0x1;
	s10 =	sld [smem:$0x3FB4];
	_ =	sdelay $0x3  }
0x34: {  	[smem:$0x3FB4] =	sst s10  }
0x35: {  	s10 =	sld [smem:$0x3FB3];
	_ =	sdelay $0x3  }
0x36: {  	p1 =	seq.s32 s10, $0x1;
	s10 =	sld [smem:$0x3FB4];
	_ =	sdelay $0x3  }
0x37: {  	[smem:$0x3FB4] =	sst s10  }
0x38: {  	s10 =	sld [smem:$0x3FB5]  }
0x39: {  	_ = 	snop;
	(pc) =	sbr.ind lr, $3  }
0x3a: {  	_ = 	snop  }
0x3b: {  	_ = 	snop  }
0x3c: {  	p2 =	seq.s32 s10, $0x1;
	s10 =	sld [smem:$0x3FB4]  }
0x3d: {  	_ =	shalt  }
0x3e: {  	_ =	shalt  }
0x3f: {  	_ =	shalt  }
0x40: {  	_ =	shalt  }
0x41: {  	_ =	shalt  }
0x42: {  	_ =	shalt  }
0x43: {  	_ =	shalt  }
0x44: {  	_ =	shalt  }
0x45: {  	_ =	shalt  }
0x46: {  	_ =	shalt  }
0x47: {  	_ =	shalt  }
0x48: {  	_ =	shalt  }
0x49: {  	_ =	shalt  }
0x4a: {  	_ =	shalt  }
0x4b: {  	_ =	shalt  }
0x4c: {  	_ =	shalt  }
0x4d: {  	_ =	shalt  }
0x4e: {  	_ =	shalt  }
0x4f: {  	_ =	shalt  }
0x50: {  	_ =	shalt  }
0x51: {  	_ =	shalt  }
0x52: {  	_ =	shalt  }
0x53: {  	_ =	shalt  }
0x54: {  	_ =	shalt  }
0x55: {  	_ =	shalt  }
0x56: {  	_ =	shalt  }
0x57: {  	_ =	shalt  }
0x58: {  	_ =	shalt  }
0x59: {  	_ =	shalt  }
0x5a: {  	_ =	shalt  }
0x5b: {  	_ =	shalt  }
0x5c: {  	_ =	shalt  }
0x5d: {  	_ =	shalt  }
0x5e: {  	_ =	shalt  }
0x5f: {  	_ =	shalt  }
0x60: {  	_ =	shalt  }
0x61: {  	_ =	shalt  }
0x62: {  	_ =	shalt  }
0x63: {  	_ =	shalt  }
0x64: {  	_ =	shalt  }
0x65: {  	_ =	shalt  }
0x66: {  	_ =	shalt  }
0x67: {  	_ =	shalt  }
0x68: {  	_ =	shalt  }
0x69: {  	_ =	shalt  }
0x6a: {  	_ =	shalt  }
0x6b: {  	_ =	shalt  }
0x6c: {  	_ =	shalt  }
0x6d: {  	_ =	shalt  }
0x6e: {  	_ =	shalt  }
0x6f: {  	_ =	shalt  }
0x70: {  	_ =	shalt  }
0x71: {  	_ =	shalt  }
0x72: {  	_ =	shalt  }
0x73: {  	_ =	shalt  }
0x74: {  	_ =	shalt  }
0x75: {  	_ =	shalt  }
0x76: {  	_ =	shalt  }
0x77: {  	_ =	shalt  }
0x78: {  	_ =	shalt  }
0x79: {  	_ =	shalt  }
0x7a: {  	_ =	shalt  }
0x7b: {  	_ =	shalt  }
0x7c: {  	_ =	shalt  }
0x7d: {  	_ =	shalt  }
0x7e: {  	_ =	shalt  }
0x7f: {  	_ =	shalt  }
0x80: {  	_ =	shalt  }
0x81: {  	_ =	shalt  }
0x82: {  	_ =	shalt  }
0x83: {  	_ =	shalt  }
0x84: {  	_ =	shalt  }
0x85: {  	_ =	shalt  }
0x86: {  	_ =	shalt  }
0x87: {  	_ =	shalt  }
.Lfunc_end0:
.L_simem_size_0:
called_computation_lowered:
.L_overlay_start_0:
0x88: {  	s2 =	sld [smem:$0x3FD9]  }
0x89: {  	s3 =	sld [smem:$0x3FFE];
	_ =	sdelay $0x1  }
0x8a: {  	s1 =	srdreg.scid  }
0x8b: {  	s0 =	sand.u32 $0x1, s1  }
0x8c: {  	s17 =	sshll.u32 s0, $0xA;
	s2 =	sadd.s32 s3, s2  }
0x8d: {  	s2 =	sadd.s32 s2, s17  }
0x8e: {  	[smem:$0x3FC0] =	sst s2  }
0x8f: {  	_ = 	snop  }
0x90: {  	s2 =	sld [smem:$0x3FD0];
	(tm) =	ssettm $0x1  }
0x91: {  	s18 =	sld [smem:$0x3FFB];
	_ =	sdelay $0x3  }
0x92: {  	_ =	strace s18  }
0x93: {  	s3 =	sld [smem:$0x3FFC];
	_ =	sdelay $0x3  }
0x94: {  	_ =	strace s3  }
0x95: {  	s3 =	sld [smem:$0x3FFD];
	_ =	sdelay $0x3  }
0x96: {  	_ =	strace s3  }
0x97: {  	_ =	strace $0x8FFFFFFF  }
0x98: {  	s19 =	sld [smem:$0x3FDB];
	_ =	sdelay $0x1  }
0x99: {  	s4 =	simm.s32 $_scs_section_size  }
0x9a: {  	s5 =	simm.s32 $_size__tile_overlayer_lowered;
	s6 =	simm.s32 $_tile_overlayer_lowered  }
0x9b: {  	s22 =	simm.s32 $0x1BFF;
	s21 =	sshll.u32 s6, $0x1;
	s3 =	sadd.s32 s4, s19  }
0x9c: {  	s7 =	simm.s32 $0x0;
	s20 =	sshll.u32 s5, $0x1;
	s5 =	sadd.s32 s21, s3  }
0x9d: {  	[timem:s7], [sflag:s22] =	dma.local [hbm:s5], s20  }
0x9e: {  	_ =	swait.ge [sflag:s22], s20  }
0x9f: {  	s4 =	ssub.s32 $0x0, s20;
	[sflag:s22] =	ssyncset.done $0x0  }
0xa0: {  	[sflag:s22] =	ssyncadd.s32 s4;
	_ =	sdelay $0x1  }
0xa1: {  	s23 =	simm.s32 $0x1B8B  }
0xa2: {  	_ =	swait.ge [sflag:s23], $0x1  }
0xa3: {  	[sflag:s23] =	ssyncset.done $0x0  }
0xa4: {  	s25 =	simm.s32 $0x1B8E;
	s24 =	sld [smem:$0x3FFE];
	[sflag:s23] =	ssyncadd.s32 $0xFFFFFFFF  }
0xa5: {  	s26 =	simm.s32 $execute0_lowered;
	[smem:$0x3FD2] =	sst s25  }
0xa6: {  	s5 =	sshll.u32 s26, $0x1;
	_ =	strace $0x80000046;
	[dreg:$0x1] =	wrdreg $0xFFFFFFFF  }
0xa7: {  	s28 =	simm.s32 $_size_execute0_lowered;
	s3 =	sadd.s32 s3, s5;
	[dreg:$0x0] =	wrdreg $0x0  }
0xa8: {  	s5 =	sshll.u32 s28, $0x1;
	[dreg:$0x2] =	wrdreg s3  }
0xa9: {  	[dreg:$0x3] =	wrdreg s5  }
0xaa: {  	[dreg:$0x4] =	wrdreg $0xC0  }
0xab: {  	_ =	task [dreg:s7], $0x5FFFF  }
0xac: {  	[dreg:$0x1] =	wrdreg $0xFFFFFFFF  }
0xad: {  	[dreg:$0x0] =	wrdreg $0x60  }
0xae: {  	[dreg:$0x2] =	wrdreg s2  }
0xaf: {  	[dreg:$0x3] =	wrdreg s24  }
0xb0: {  	[dreg:$0x4] =	wrdreg $0x0  }
0xb1: {  	[dreg:$0x5] =	wrdreg $0x9  }
0xb2: {  	_ =	task.clear_ibuf [dreg:s7], $0x6FFFF;
	_ =	strace $0x90000046  }
0xb3: {  	s29 =	simm.s32 $0x9;
	_ =	strace $0x80000048  }
0xb4: {  	_ =	swait.ge [sflag:s29], $0x1  }
0xb5: {  	[sflag:s29] =	ssyncadd.s32 $0xFFFFFFFF  }
0xb6: {  	_ =	strace $0x90000048  }
0xb7: {  	_ =	sfence  }
0xb8: {  	s30 =	sld [smem:$0x0];
	_ =	sdelay $0x2  }
0xb9: {  	s31 =	sshll.u32 s1, $0xD;
	s1 =	sshrl.u32 s1, $0x2  }
0xba: {  	s3 =	sand.u32 $0x4000, s31;
	s1 =	sadd.s32 s1, s30  }
0xbb: {  	s0 =	sor.u32 s3, s0;
	s1 =	sshll.u32 s1, $0x11  }
0xbc: {  	s0 =	sor.u32 s1, s0  }
0xbd: {  	s0 =	sadd.s32 $0x8F2B, s0  }
0xbe: {  	[sflag:s0] =	ssyncadd.remote.s32 $0x1  }
0xbf: {  	_ =	sfence.sel $0xFFFF  }
0xc0: {  	[dreg:$0x0] =	wrdreg $0xFFFFFFFF;
	(pc) =	sbr.abs _section_cstart, $3  }
0xc1: {  	[dreg:$0x1] =	wrdreg $0xFFFFFFFF  }
0xc2: {  	_ =	task.clear_ibuf [dreg:s7], $0x2FFFF;
	_ =	strace $0x9FFFFFFF  }
0xc3: {  	(tm) =	ssettm $0x7FFFFFFF  }
tec
execute0_lowered:
.L_overlay_start_1:
0x0: {  	(tag) =	ssettag $0x1  }
0x1: {  	s7 =	rddreg [dreg:$0x0]  }
0x2: {  	s5 =	rddreg [dreg:$0x1]  }
0x3: {  	s2 =	rddreg [dreg:$0x2]  }
0x4: {  	s0 =	rddreg [dreg:$0x3]  }
0x5: {  	s1 =	stileid.u32;
	s4 =	srdreg.scid;
	s3 =	simm.s32 $0x0  }
0x6: {  	s15 =	simm.s32 $0x1;
	s16 =	simm.s32 $0x0;
	s6 =	smul.u32 $0x13C00, s1  }
0x7: {  	s8 =	sand.u32 $0x1, s4;
	[smem:$0x7FF] =	sst s3;
	s28 =	smul.u32 $0x4F000, s1  }
0x8: {  	s4 =	sadd.s32 $0x3DC00, s5;
	s31 =	sshll.u32 s1, $0x6;
	s9 =	smul.u32 $0x13C000, s8  }
0x9: {  	_ =	strace $0x80000047;
	s11 =	sshll.u32 s8, $0x4;
	s29 =	ssub.s32 $0x2, s8  }
0xa: {  	s26 =	sshrl.u32 s6, $0x3;
	s30 =	sor.u32 s1, s11;
	s8 =	sshrl.u32 s29, $0x1  }
0xb: {  	s10 =	sadd.s32 s26, s5;
	s6 =	sadd.s32 s6, s9;
	s9 =	sshrl.u32 s28, $0x2  }
0xc: {  	s11 =	smul.u32 $0x500, s30;
	s13 =	ssub.s32 s29, s8;
	s6 =	sshrl.u32 s6, $0x3  }
0xd: {  	s14 =	sadd.s32 s9, s2;
	s9 =	smax.u32 s13, $0x1;
	s13 =	simm.s32 $0x17C00  }
0xe: {  	s12 =	sadd.s32 s6, s5;
	s5 =	sadd.s32 $0x16400, s10;
	s6 =	sor.u32 $0x1C02, s31  }
0xf: {  	s7 =	sadd.s32 s7, s11;
	s10 =	sshrl.u32 s14, $0x3;
	s11 =	simm.s32 $0x2  }
0x10: {  	s14 =	simm.s32 $0x80;
	s8 =	sadd.s32 $0x3E400, s12;
	s12 =	simm.s32 $0x13C00  }
.LBB2_1:
0x11: {  	[spmem:s10], [sflag:s6] =	dma.local [hbm:s5], $0x2780  }
0x12: {  	_ =	swait.ge [sflag:s11], $0x2780  }
0x13: {  	[sflag:s11] =	ssyncset.done $0x0  }
0x14: {  	[sflag:s11] =	ssyncadd.s32 $0xFFFFD880  }
0x15: {  	[tilespmem:s12], [sflag:$0x2] =	stream.linear.gather [hbm4b:s4+s3], $0x4000, $0x38;
	[tilespmem:$0x1A400] =	vst v63  }
0x16: {  	_ =	swait.ge [sflag:s11], $0x4000  }
0x17: {  	[sflag:s11] =	ssyncset.done $0x0  }
0x18: {  	[sflag:s11] =	ssyncadd.s32 $0xFFFFC000  }
0x19: {  	[tilespmem:s13], [sflag:$0x2] =	stream.linear.gather [hbm4b:s7+s3], $0x2800, $0x38;
	[tilespmem:$0x1A400] =	vst v63  }
0x1a: {  	_ =	swait.ge [sflag:s11], $0x2800  }
0x1b: {  	[sflag:s11] =	ssyncset.done $0x0  }
0x1c: {  	[sflag:s11] =	ssyncadd.s32 $0xFFFFD800  }
0x1d: {  	s17 =	simm.s32 $0x17C00;
	[bflag:$0x0] =	sbarrier.arrive $0xFFFF  }
0x1e: {  	[spmem:s2] =	stream.indirect.scatter.add.f32 [tilespmem:s12], [sflag:$0x1], $0x80, s17, s14, $0xb8;
	[tilespmem:$0x1A400] =	vst v63  }
0x1f: {  	s24 =	simm.s32 $0x17C80  }
0x20: {  	[spmem:s2] =	stream.indirect.scatter.add.f32 [tilespmem:s12], [sflag:$0x1], $0x80, s24, s14, $0xb8;
	[tilespmem:$0x1A400] =	vst v63  }
0x21: {  	s25 =	simm.s32 $0x17D00  }
0x22: {  	[spmem:s2] =	stream.indirect.scatter.add.f32 [tilespmem:s12], [sflag:$0x1], $0x80, s25, s14, $0xb8;
	[tilespmem:$0x1A400] =	vst v63  }
0x23: {  	s26 =	simm.s32 $0x17D80  }
0x24: {  	[spmem:s2] =	stream.indirect.scatter.add.f32 [tilespmem:s12], [sflag:$0x1], $0x80, s26, s14, $0xb8;
	[tilespmem:$0x1A400] =	vst v63  }
0x25: {  	s28 =	simm.s32 $0x17E00  }
0x26: {  	[spmem:s2] =	stream.indirect.scatter.add.f32 [tilespmem:s12], [sflag:$0x1], $0x80, s28, s14, $0xb8;
	[tilespmem:$0x1A400] =	vst v63  }
0x27: {  	s29 =	simm.s32 $0x17E80  }
0x28: {  	[spmem:s2] =	stream.indirect.scatter.add.f32 [tilespmem:s12], [sflag:$0x1], $0x80, s29, s14, $0xb8;
	[tilespmem:$0x1A400] =	vst v63  }
0x29: {  	s30 =	simm.s32 $0x17F00  }
0x2a: {  	[spmem:s2] =	stream.indirect.scatter.add.f32 [tilespmem:s12], [sflag:$0x1], $0x80, s30, s14, $0xb8;
	[tilespmem:$0x1A400] =	vst v63  }
0x2b: {  	s31 =	simm.s32 $0x17F80  }
0x2c: {  	[spmem:s2] =	stream.indirect.scatter.add.f32 [tilespmem:s12], [sflag:$0x1], $0x80, s31, s14, $0xb8;
	[tilespmem:$0x1A400] =	vst v63  }
0x2d: {  	_ =	swait.ge [sflag:s15], $0x4000  }
0x2e: {  	[sflag:s15] =	ssyncset.done $0x0  }
0x2f: {  	[sflag:s15] =	ssyncadd.s32 $0xFFFFC000  }
0x30: {  	_ =	swait.ge [sflag:s15], $0x4000  }
0x31: {  	[sflag:s15] =	ssyncset.done $0x0  }
0x32: {  	[sflag:s15] =	ssyncadd.s32 $0xFFFFC000  }
0x33: {  	_ =	swait.ge [sflag:s15], $0x4000  }
0x34: {  	[sflag:s15] =	ssyncset.done $0x0  }
0x35: {  	[sflag:s15] =	ssyncadd.s32 $0xFFFFC000  }
0x36: {  	_ =	swait.ge [sflag:s15], $0x4000  }
0x37: {  	[sflag:s15] =	ssyncset.done $0x0  }
0x38: {  	[sflag:s15] =	ssyncadd.s32 $0xFFFFC000  }
0x39: {  	_ =	swait.ge [sflag:s15], $0x4000  }
0x3a: {  	[sflag:s15] =	ssyncset.done $0x0  }
0x3b: {  	[sflag:s15] =	ssyncadd.s32 $0xFFFFC000  }
0x3c: {  	_ =	swait.ge [sflag:s15], $0x4000  }
0x3d: {  	[sflag:s15] =	ssyncset.done $0x0  }
0x3e: {  	[sflag:s15] =	ssyncadd.s32 $0xFFFFC000  }
0x3f: {  	_ =	swait.ge [sflag:s15], $0x4000  }
0x40: {  	[sflag:s15] =	ssyncset.done $0x0  }
0x41: {  	[sflag:s15] =	ssyncadd.s32 $0xFFFFC000  }
0x42: {  	_ =	swait.ge [sflag:s15], $0x4000  }
0x43: {  	s20 =	simm.s32 $0x2000;
	s19 =	simm.s32 $0x400;
	[sflag:s15] =	ssyncset.done $0x0  }
.LBB2_2:
0x44: {  	s21 =	sadd.s32 $0x17C00, s19  }
0x45: {  	[sflag:s15] =	ssyncadd.s32 $0xFFFFC000;
	s18 =	smov.u32 s20;
	s17 =	sadd.s32 $0x1000, s20  }
0x46: {  	[spmem:s2] =	stream.indirect.scatter.add.f32 [tilespmem:s12], [sflag:$0x1], $0x80, s21, s14, $0xb8;
	[tilespmem:$0x1A400] =	vst v63  }
0x47: {  	p0 =	sne.s32 s20, $0x9000;
	s20 =	sadd.s32 $0x17C80, s19  }
0x48: {  	[spmem:s2] =	stream.indirect.scatter.add.f32 [tilespmem:s12], [sflag:$0x1], $0x80, s20, s14, $0xb8;
	[tilespmem:$0x1A400] =	vst v63  }
0x49: {  	s20 =	sadd.s32 $0x17D00, s19  }
0x4a: {  	[spmem:s2] =	stream.indirect.scatter.add.f32 [tilespmem:s12], [sflag:$0x1], $0x80, s20, s14, $0xb8;
	[tilespmem:$0x1A400] =	vst v63  }
0x4b: {  	s20 =	sadd.s32 $0x17D80, s19  }
0x4c: {  	[spmem:s2] =	stream.indirect.scatter.add.f32 [tilespmem:s12], [sflag:$0x1], $0x80, s20, s14, $0xb8;
	[tilespmem:$0x1A400] =	vst v63  }
0x4d: {  	s20 =	sadd.s32 $0x17E00, s19  }
0x4e: {  	[spmem:s2] =	stream.indirect.scatter.add.f32 [tilespmem:s12], [sflag:$0x1], $0x80, s20, s14, $0xb8;
	[tilespmem:$0x1A400] =	vst v63  }
0x4f: {  	s20 =	sadd.s32 $0x17E80, s19  }
0x50: {  	[spmem:s2] =	stream.indirect.scatter.add.f32 [tilespmem:s12], [sflag:$0x1], $0x80, s20, s14, $0xb8;
	[tilespmem:$0x1A400] =	vst v63  }
0x51: {  	s20 =	sadd.s32 $0x17F00, s19  }
0x52: {  	[spmem:s2] =	stream.indirect.scatter.add.f32 [tilespmem:s12], [sflag:$0x1], $0x80, s20, s14, $0xb8;
	[tilespmem:$0x1A400] =	vst v63  }
0x53: {  	s19 =	sadd.s32 $0x17F80, s19  }
0x54: {  	[spmem:s2] =	stream.indirect.scatter.add.f32 [tilespmem:s12], [sflag:$0x1], $0x80, s19, s14, $0xb8;
	[tilespmem:$0x1A400] =	vst v63  }
0x55: {  	_ =	swait.ge [sflag:s15], $0x4000  }
0x56: {  	[sflag:s15] =	ssyncset.done $0x0  }
0x57: {  	[sflag:s15] =	ssyncadd.s32 $0xFFFFC000  }
0x58: {  	_ =	swait.ge [sflag:s15], $0x4000  }
0x59: {  	[sflag:s15] =	ssyncset.done $0x0  }
0x5a: {  	[sflag:s15] =	ssyncadd.s32 $0xFFFFC000  }
0x5b: {  	_ =	swait.ge [sflag:s15], $0x4000  }
0x5c: {  	[sflag:s15] =	ssyncset.done $0x0  }
0x5d: {  	[sflag:s15] =	ssyncadd.s32 $0xFFFFC000  }
0x5e: {  	_ =	swait.ge [sflag:s15], $0x4000  }
0x5f: {  	[sflag:s15] =	ssyncset.done $0x0  }
0x60: {  	[sflag:s15] =	ssyncadd.s32 $0xFFFFC000  }
0x61: {  	_ =	swait.ge [sflag:s15], $0x4000  }
0x62: {  	[sflag:s15] =	ssyncset.done $0x0  }
0x63: {  	[sflag:s15] =	ssyncadd.s32 $0xFFFFC000  }
0x64: {  	_ =	swait.ge [sflag:s15], $0x4000  }
0x65: {  	[sflag:s15] =	ssyncset.done $0x0  }
0x66: {  	[sflag:s15] =	ssyncadd.s32 $0xFFFFC000  }
.Ltmp0:
0x67: {  	_ =	swait.ge [sflag:s15], $0x4000;
	(pc) =	sbr.rel @p0 .LBB2_2-.Ltmp0, $4  }
0x68: {  	[sflag:s15] =	ssyncset.done $0x0  }
0x69: {  	[sflag:s15] =	ssyncadd.s32 $0xFFFFC000  }
0x6a: {  	_ =	swait.ge [sflag:s15], $0x4000  }
0x6b: {  	s20 =	smov.u32 s17;
	s19 =	sshra.s32 s18, $0x2;
	[sflag:s15] =	ssyncset.done $0x0  }
0x6c: {  	s17 =	sadd.s32 $0x17C00, s19;
	[sflag:s15] =	ssyncadd.s32 $0xFFFFC000  }
0x6d: {  	[spmem:s2] =	stream.indirect.scatter.add.f32 [tilespmem:s12], [sflag:$0x1], $0x80, s17, s14, $0xb8;
	[tilespmem:$0x1A400] =	vst v63  }
0x6e: {  	s24 =	sadd.s32 $0x17C80, s19  }
0x6f: {  	[spmem:s2] =	stream.indirect.scatter.add.f32 [tilespmem:s12], [sflag:$0x1], $0x80, s24, s14, $0xb8;
	[tilespmem:$0x1A400] =	vst v63  }
0x70: {  	s25 =	sadd.s32 $0x17D00, s19  }
0x71: {  	[spmem:s2] =	stream.indirect.scatter.add.f32 [tilespmem:s12], [sflag:$0x1], $0x80, s25, s14, $0xb8;
	[tilespmem:$0x1A400] =	vst v63  }
0x72: {  	s26 =	sadd.s32 $0x17D80, s19  }
0x73: {  	[spmem:s2] =	stream.indirect.scatter.add.f32 [tilespmem:s12], [sflag:$0x1], $0x80, s26, s14, $0xb8;
	[tilespmem:$0x1A400] =	vst v63  }
0x74: {  	s28 =	sadd.s32 $0x17E00, s19  }
0x75: {  	[spmem:s2] =	stream.indirect.scatter.add.f32 [tilespmem:s12], [sflag:$0x1], $0x80, s28, s14, $0xb8;
	[tilespmem:$0x1A400] =	vst v63  }
0x76: {  	s29 =	sadd.s32 $0x17E80, s19  }
0x77: {  	[spmem:s2] =	stream.indirect.scatter.add.f32 [tilespmem:s12], [sflag:$0x1], $0x80, s29, s14, $0xb8;
	[tilespmem:$0x1A400] =	vst v63  }
0x78: {  	s30 =	sadd.s32 $0x17F00, s19  }
0x79: {  	[spmem:s2] =	stream.indirect.scatter.add.f32 [tilespmem:s12], [sflag:$0x1], $0x80, s30, s14, $0xb8;
	[tilespmem:$0x1A400] =	vst v63  }
0x7a: {  	s31 =	sadd.s32 $0x17F80, s19  }
0x7b: {  	[spmem:s2] =	stream.indirect.scatter.add.f32 [tilespmem:s12], [sflag:$0x1], $0x80, s31, s14, $0xb8;
	[tilespmem:$0x1A400] =	vst v63  }
0x7c: {  	_ =	swait.ge [sflag:s15], $0x4000  }
0x7d: {  	[sflag:s15] =	ssyncset.done $0x0  }
0x7e: {  	[sflag:s15] =	ssyncadd.s32 $0xFFFFC000  }
0x7f: {  	_ =	swait.ge [sflag:s15], $0x4000  }
0x80: {  	[sflag:s15] =	ssyncset.done $0x0  }
0x81: {  	[sflag:s15] =	ssyncadd.s32 $0xFFFFC000  }
0x82: {  	_ =	swait.ge [sflag:s15], $0x4000  }
0x83: {  	[sflag:s15] =	ssyncset.done $0x0  }
0x84: {  	[sflag:s15] =	ssyncadd.s32 $0xFFFFC000  }
0x85: {  	_ =	swait.ge [sflag:s15], $0x4000  }
0x86: {  	[sflag:s15] =	ssyncset.done $0x0  }
0x87: {  	[sflag:s15] =	ssyncadd.s32 $0xFFFFC000  }
0x88: {  	_ =	swait.ge [sflag:s15], $0x4000  }
0x89: {  	[sflag:s15] =	ssyncset.done $0x0  }
0x8a: {  	[sflag:s15] =	ssyncadd.s32 $0xFFFFC000  }
0x8b: {  	_ =	swait.ge [sflag:s15], $0x4000  }
0x8c: {  	[sflag:s15] =	ssyncset.done $0x0  }
0x8d: {  	[sflag:s15] =	ssyncadd.s32 $0xFFFFC000  }
0x8e: {  	_ =	swait.ge [sflag:s15], $0x4000  }
0x8f: {  	[sflag:s15] =	ssyncset.done $0x0  }
0x90: {  	[sflag:s15] =	ssyncadd.s32 $0xFFFFC000  }
0x91: {  	_ =	swait.ge [sflag:s15], $0x4000  }
0x92: {  	s16 =	sadd.s32 $0x1, s16;
	[sflag:s15] =	ssyncset.done $0x0  }
0x93: {  	p0 =	sne.s32 s16, s9;
	[sflag:s15] =	ssyncadd.s32 $0xFFFFC000  }
.Ltmp1:
0x94: {  	[bflag:$0x0] =	sbarrier.arrive $0xFFFF;
	(pc) =	sbr.rel @p0 .LBB2_1-.Ltmp1, $4  }
0x95: {  	[hbm:s8], [sflag:s6] =	dma.local [spmem:s10], $0x2780  }
0x96: {  	_ =	swait.ge [sflag:s11], $0x2780  }
0x97: {  	[sflag:s11] =	ssyncset.done $0x0  }
0x98: {  	[sflag:s11] =	ssyncadd.s32 $0xFFFFD880  }
0x99: {  	_ =	sfence.sel $0x180000  }
0x9a: {  	[bflag:$0x0] =	sbarrier.arrive $0xFFFF  }
0x9b: {  	p0 =	sne.s32 s1, $0x0;
	_ =	strace $0x90000047  }
0x9c: {  	s0 =	sadd.s32 @!p0 $0x100000, s0;
	[bflag:$0x2] =	sbarrier.arrive $0xFFFF  }
0x9d: {  	[sflag:s0] =	ssyncadd.tile.s32 @!p0 $0x1;
	_ =	shalt  }
.Lfunc_end2:
_tile_overlayer_lowered:
.L_overlay_start_2:
0x9e: {  	(tag) =	ssettag $0x2  }
0x9f: {  	s0 =	rddreg [dreg:$0x0];
	s2 =	stileid.u32  }
0xa0: {  	s1 =	rddreg [dreg:$0x1];
	p0 =	sne.s32 s2, $0x0  }
0xa1: {  	s3 =	rddreg [dreg:$0x2];
	[bflag:$0x3] =	sbarrier.arrive $0xFFFF;
	s2 =	simm.s32 @!p0 $0x1C02  }
0xa2: {  	[timem:s3], [sflag:s2] =	dma.local @!p0 [hbm:s0], s1  }
0xa3: {  	s0 =	simm.s32 @!p0 $0x2  }
0xa4: {  	_ =	swait.ge @!p0 [sflag:s0], s1  }
0xa5: {  	s1 =	ssub.s32 @!p0 $0x0, s1;
	[sflag:s0] =	ssyncset.done @!p0 $0x0  }
0xa6: {  	[sflag:s0] =	ssyncadd.s32 @!p0 s1  }
0xa7: {  	[bflag:$0x3] =	sbarrier.arrive $0xFFFF  }
0xa8: {  	_ =	shalt  }

</sc_bundles>
